<compile_context>
chip_gen: v7x
topology: tpu7x:2x2x1
jax: 0.10.2.dev20260603
libtpu: 0.0.44.dev20260713+nightly
codegen_flags: <defaults>
</compile_context>

<pallas_src>
import functools

import jax
import jax.numpy as jnp
from jax import lax
from jax.experimental import pallas as pl
from jax.experimental.pallas import tpu as pltpu
from jax.experimental.pallas import tpu_sc as plsc

_N = 10000
_E = 320000
_D = 128
_ND = 128

_BATCH = 128
_ROWS_PER_TILE = 100
_NTILES = 25


def _deg_body(edges_hbm, out_hbm, idx2_v, ones_v, zeros_v, hist_s, sem):
    c = lax.axis_index("c")
    s = lax.axis_index("s")
    wid = s * 2 + c

    widc = jnp.minimum(wid, _NTILES - 1)
    src = edges_hbm.at[:, pl.ds(widc * _ROWS_PER_TILE * _BATCH,
                                _ROWS_PER_TILE * _BATCH)]

    @pl.when(wid < _NTILES)
    def _():
        pltpu.async_copy(src, idx2_v, sem)

    zero16 = jnp.zeros((16,), jnp.int32)
    one16 = jnp.ones((16,), jnp.int32)

    def fill(j, carry):
        zeros_v[pl.ds(j * 16, 16)] = zero16
        return carry

    lax.fori_loop(0, 40, fill, 0)

    def fill1(j, carry):
        ones_v[pl.ds(j * 16, 16)] = one16
        return carry

    lax.fori_loop(0, 8, fill1, 0)

    @pl.when(s < 15)
    def _():
        pltpu.sync_copy(zeros_v, hist_s.at[pl.ds(s * 640, 640)])

    @pl.when(s == 15)
    def _():
        pltpu.sync_copy(zeros_v.at[pl.ds(0, 400)], hist_s.at[pl.ds(9600, 400)])

    @pl.when(wid < _NTILES)
    def _():
        pltpu.make_async_copy(src, idx2_v, sem).wait()

    plsc.subcore_barrier()

    @pl.when(wid < _NTILES)
    def _():
        def fire(base):
            for u in range(5):
                pltpu.async_copy(
                    ones_v,
                    hist_s.at[idx2_v.at[1, pl.ds((base + u) * _BATCH,
                                                 _BATCH)]],
                    sem, add=True)

        def drain5():
            for _u in range(5):
                pltpu.make_async_copy(
                    ones_v, hist_s.at[idx2_v.at[1, pl.ds(0, _BATCH)]],
                    sem).wait()

        fire(0)
        fire(5)

        def chunk(cj, carry):
            fire(cj * 5)
            drain5()
            return carry

        lax.fori_loop(2, _ROWS_PER_TILE // 5, chunk, 0)
        drain5()
        drain5()

    plsc.subcore_barrier()

    @pl.when(s == 0)
    def _():
        pltpu.sync_copy(hist_s, out_hbm.at[c, 0])


@functools.cache
def _deg_sc():
    return pl.kernel(
        _deg_body,
        mesh=plsc.VectorSubcoreMesh(core_axis_name="c", subcore_axis_name="s"),
        out_type=jax.ShapeDtypeStruct((2, 1, _N), jnp.int32),
        scratch_types=[
            pltpu.VMEM((2, _ROWS_PER_TILE * _BATCH), jnp.int32),
            pltpu.VMEM((_BATCH,), jnp.int32),
            pltpu.VMEM((640,), jnp.int32),
            pltpu.VMEM_SHARED((_N,), jnp.int32),
            pltpu.SemaphoreType.DMA,
        ],
    )


_BLK = 2000


def _quant_body(part_ref, gama_ref, bit_ref, fea_ref,
                out_ref, bs_ref, sq_scr):
    i = pl.program_id(0)

    @pl.when(i == 0)
    def _():
        p = part_ref[...]
        deg = p[0] + p[1]
        idx = jnp.minimum(deg, _ND - 1)
        kk = lax.broadcasted_iota(jnp.int32, (_ND, _N), 0)
        onehot_t = (kk == idx).astype(jnp.float32)

        g = jnp.maximum(jnp.abs(gama_ref[...]), 1e-12)
        b = jnp.clip(jnp.round(bit_ref[...]), 1.0, 32.0)
        qm = jnp.exp2(b - 1.0) - 1.0
        tab = jnp.concatenate([g, qm], axis=1)
        sq_scr[...] = lax.dot_general(
            onehot_t, tab,
            dimension_numbers=(((0,), (0,)), ((), ())),
            preferred_element_type=jnp.float32)

        occ = jnp.max(onehot_t, axis=1, keepdims=True)
        total = lax.dot_general(occ, bit_ref[...],
                                dimension_numbers=(((0,), (0,)), ((), ())),
                                preferred_element_type=jnp.float32)
        bs_ref[...] = total * (_D / 8.0 / 1024.0)

    sq = sq_scr[pl.ds(i * _BLK, _BLK), :]
    sc = sq[:, 0:1]
    qmax = sq[:, 1:2]
    q = jnp.clip(jnp.round(fea_ref[...] / sc), -qmax, qmax)
    out_ref[...] = q * sc


def _quant_tc(partials, gama, bit, fea):
    return pl.pallas_call(
        _quant_body,
        grid=(_N // _BLK,),
        in_specs=[
            pl.BlockSpec((2, 1, _N), lambda i: (0, 0, 0)),
            pl.BlockSpec((_ND, 1), lambda i: (0, 0)),
            pl.BlockSpec((_ND, 1), lambda i: (0, 0)),
            pl.BlockSpec((_BLK, _D), lambda i: (i, 0)),
        ],
        out_specs=[
            pl.BlockSpec((_BLK, _D), lambda i: (i, 0)),
            pl.BlockSpec((1, 1), lambda i: (0, 0)),
        ],
        out_shape=[
            jax.ShapeDtypeStruct((_N, _D), jnp.float32),
            jax.ShapeDtypeStruct((1, 1), jnp.float32),
        ],
        scratch_shapes=[pltpu.VMEM((_N, 2), jnp.float32)],
    )(partials, gama, bit, fea)


def kernel(fea, edge_index, gama, bit):
    partials = _deg_sc()(edge_index)
    fea_q, bs = _quant_tc(partials, gama, bit, fea)
    return fea_q, bs[0, 0]

# --- scband reference (transcript-rebuilt; emitter-appended) ---
"""Pipeline reference for scband-u-quant-fea-26414048870734 (READ-ONLY COPY).

The authoritative reference and input builder live on the scoring server;
editing this copy changes nothing except your own understanding.
"""

import jax, jax.numpy as jnp
import numpy as np

N_NODES = 10000
N_EDGES = 320000
D_FEAT = 128
NUM_DEG = 128
BIT_INIT = 4.0


def ste_round(x):
    # straight-through rounding (matches custom autograd Function STE behavior)
    return x + jax.lax.stop_gradient(jnp.round(x) - x)


def setup_inputs(seed: int = 0) -> dict:
    key = jax.random.key(seed)
    k1, k2, k3 = jax.random.split(key, 3)
    fea = jax.random.normal(k1, (N_NODES, D_FEAT), dtype=jnp.float32)
    edge_index = jax.random.randint(k2, (2, N_EDGES), 0, N_NODES, dtype=jnp.int32)
    # learned params per __init__: gama ~ |N(gama_init, gama_std)|, bit = const 4
    gama = jnp.abs(0.001 + 0.001 * jax.random.normal(k3, (NUM_DEG, 1), dtype=jnp.float32))
    bit = jnp.full((NUM_DEG, 1), BIT_INIT, dtype=jnp.float32)
    return {"fea": fea, "edge_index": edge_index, "gama": gama, "bit": bit}


def reference(fea, edge_index, gama, bit):
    N = fea.shape[0]
    num_deg = gama.shape[0]
    # get_deg_index: in-degree of each node via scatter-add over dst nodes
    deg = jnp.zeros((N,), dtype=jnp.int32).at[edge_index[1]].add(1)
    # get_scale_index: map degree to bucket into gama/bit tables (clamped)
    scale_index = jnp.clip(deg, 0, num_deg - 1)
    deg_inv_sqrt = 1.0  # module attribute, constant
    # u_quant_fea_func_gama_div: per-node learned step-size quantization (LSQ-style)
    s = jnp.maximum(jnp.abs(gama)[scale_index, 0], 1e-12)[:, None]  # [N,1]
    b = jnp.clip(ste_round(bit[scale_index, 0]), 1.0, 32.0)[:, None]  # [N,1]
    qmax = 2.0 ** (b - 1.0) - 1.0
    v = fea * deg_inv_sqrt / s
    q = jnp.clip(ste_round(v), -qmax, qmax)
    fea_q = q * s
    # bit budget bookkeeping (histogram over occupied degree buckets)
    occupied = jnp.zeros((num_deg,), dtype=bool).at[scale_index].set(True)
    bit_sum = fea.shape[1] * jnp.where(occupied, bit[:, 0], 0.0).sum() / 8.0 / 1024.0
    return fea_q, bit_sum

if __name__ == "__main__":
    import jax
    _d = setup_inputs()
    print(jax.jit(kernel)(*tuple(_d.values())))

</pallas_src>

<mosaic_0001>
#map = affine_map<(d0, d1) -> (0, 0)>
#map1 = affine_map<(d0, d1) -> (0, 0, 0)>
module attributes {stable_mosaic.version = 14 : i64} {
  func.func @_deg_body(%arg0: i32, %arg1: i32, %arg2: memref<2x320000xi32, #tpu.memory_space<hbm>>, %arg3: memref<2x1x10000xi32, #tpu.memory_space<hbm>>, %arg4: memref<2x12800xi32, #tpu.memory_space<vmem>>, %arg5: memref<128xi32, #tpu.memory_space<vmem>>, %arg6: memref<640xi32, #tpu.memory_space<vmem>>, %arg7: memref<10000xi32, #tpu.memory_space<vmem_shared>>, %arg8: memref<!tpu.dma_semaphore, #tpu.memory_space<semaphore_mem>>) attributes {dimension_semantics = [#tpu.dimension_semantics<core_parallel>, #tpu.dimension_semantics<subcore_parallel>], iteration_bounds = array<i64: 2, 16>, scalar_prefetch = 0 : i64, scratch_operands = 5 : i64, tpu.core_type = #tpu.core_type<sc_vector_subcore>, window_params = [{transform_indices = #map}, {transform_indices = #map1}]} {
    %mul3A = arith.constant 2 : i32
    %mul3A_0 = arith.muli %arg1, %mul3A : i32
    %add3A = arith.addi %mul3A_0, %arg0 : i32
    %min3A = arith.constant 24 : i32
    %min3A_1 = arith.minsi %add3A, %min3A : i32
    %mul3A_2 = arith.constant 100 : i32
    %mul3A_3 = arith.muli %min3A_1, %mul3A_2 : i32
    %mul3A_4 = arith.constant 128 : i32
    %mul3A_5 = arith.muli %mul3A_3, %mul3A_4 : i32
    %lt3A = arith.constant 25 : i32
    %lt3A_6 = arith.cmpi slt, %add3A, %lt3A : i32
    %convert_element_type3A = arith.extui %lt3A_6 : i1 to i32
    %cond3A = arith.constant 0 : i32
    %cond3A_7 = arith.cmpi ne, %convert_element_type3A, %cond3A : i32
    scf.if %cond3A_7 {
      %dma_start3A = arith.constant 0 : i32
      %dma_start3A_47 = tpu.memref_slice %arg2[%dma_start3A, %mul3A_5] : memref<2x320000xi32, #tpu.memory_space<hbm>> -> memref<2x12800xi32, #tpu.memory_space<hbm>>
      %dma_start3A_48 = arith.constant 0 : i32
      %dma_start3A_49 = tpu.memref_slice %arg2[%dma_start3A_48, %mul3A_5] : memref<2x320000xi32, #tpu.memory_space<hbm>> -> memref<2x12800xi32, #tpu.memory_space<hbm>>
      tpu.enqueue_dma source(%dma_start3A_49 : memref<2x12800xi32, #tpu.memory_space<hbm>>) target(%arg4 : memref<2x12800xi32, #tpu.memory_space<vmem>>) target_semaphore(%arg8 : memref<!tpu.dma_semaphore, #tpu.memory_space<semaphore_mem>>)
    } else {
    }
    %broadcast_in_dim3A = arith.constant 0 : i32
    %broadcast_in_dim3A_8 = vector.broadcast %broadcast_in_dim3A : i32 to vector<16xi32>
    %broadcast_in_dim3A_9 = arith.constant 1 : i32
    %broadcast_in_dim3A_10 = vector.broadcast %broadcast_in_dim3A_9 : i32 to vector<16xi32>
    %scan3A = arith.constant 0 : i32
    %scan3A_11 = arith.constant 0 : i32
    %scan3A_12 = arith.constant 40 : i32
    %scan3A_13 = arith.addi %scan3A_11, %scan3A_12 : i32
    %scan3A_14 = arith.constant 1 : i32
    scf.for %scan3A_47 = %scan3A_11 to %scan3A_13 step %scan3A_14  : i32 {
      %mul3A_48 = arith.constant 16 : i32
      %mul3A_49 = arith.muli %scan3A_47, %mul3A_48 : i32
      %swap3A = arith.index_cast %mul3A_49 : i32 to index
      %swap3A_50 = tpu.vector_load %arg6[%swap3A] {strides = array<i32>} : memref<640xi32, #tpu.memory_space<vmem>>, vector<16xi32>,
      %swap3A_51 = vector.shape_cast %swap3A_50 : vector<16xi32> to vector<16xi32>
      %swap3A_52 = vector.shape_cast %broadcast_in_dim3A_8 : vector<16xi32> to vector<16xi32>
      tpu.vector_store %arg6[%swap3A], %swap3A_52 {strides = array<i32>} : memref<640xi32, #tpu.memory_space<vmem>>, vector<16xi32>,
    }
    %scan3A_15 = arith.constant 40 : i32
    %scan3A_16 = arith.constant 0 : i32
    %scan3A_17 = arith.constant 0 : i32
    %scan3A_18 = arith.constant 8 : i32
    %scan3A_19 = arith.addi %scan3A_17, %scan3A_18 : i32
    %scan3A_20 = arith.constant 1 : i32
    scf.for %scan3A_47 = %scan3A_17 to %scan3A_19 step %scan3A_20  : i32 {
      %mul3A_48 = arith.constant 16 : i32
      %mul3A_49 = arith.muli %scan3A_47, %mul3A_48 : i32
      %swap3A = arith.index_cast %mul3A_49 : i32 to index
      %swap3A_50 = tpu.vector_load %arg5[%swap3A] {strides = array<i32>} : memref<128xi32, #tpu.memory_space<vmem>>, vector<16xi32>,
      %swap3A_51 = vector.shape_cast %swap3A_50 : vector<16xi32> to vector<16xi32>
      %swap3A_52 = vector.shape_cast %broadcast_in_dim3A_10 : vector<16xi32> to vector<16xi32>
      tpu.vector_store %arg5[%swap3A], %swap3A_52 {strides = array<i32>} : memref<128xi32, #tpu.memory_space<vmem>>, vector<16xi32>,
    }
    %scan3A_21 = arith.constant 8 : i32
    %lt3A_22 = arith.constant 15 : i32
    %lt3A_23 = arith.cmpi slt, %arg1, %lt3A_22 : i32
    %convert_element_type3A_24 = arith.extui %lt3A_23 : i1 to i32
    %cond3A_25 = arith.constant 0 : i32
    %cond3A_26 = arith.cmpi ne, %convert_element_type3A_24, %cond3A_25 : i32
    scf.if %cond3A_26 {
      %mul3A_47 = arith.constant 640 : i32
      %mul3A_48 = arith.muli %arg1, %mul3A_47 : i32
      "tpu.region"() ({
        %run_scoped3A = tpu.sem_alloc : memref<!tpu.dma_semaphore, #tpu.memory_space<semaphore_mem>>
        %dma_start3A = tpu.memref_slice %arg7[%mul3A_48] : memref<10000xi32, #tpu.memory_space<vmem_shared>> -> memref<640xi32, #tpu.memory_space<vmem_shared>>
        %dma_start3A_49 = tpu.memref_slice %arg7[%mul3A_48] : memref<10000xi32, #tpu.memory_space<vmem_shared>> -> memref<640xi32, #tpu.memory_space<vmem_shared>>
        tpu.enqueue_dma source(%arg6 : memref<640xi32, #tpu.memory_space<vmem>>) target(%dma_start3A_49 : memref<640xi32, #tpu.memory_space<vmem_shared>>) target_semaphore(%run_scoped3A : memref<!tpu.dma_semaphore, #tpu.memory_space<semaphore_mem>>)
        %dma_wait3A = tpu.memref_slice %arg7[%mul3A_48] : memref<10000xi32, #tpu.memory_space<vmem_shared>> -> memref<640xi32, #tpu.memory_space<vmem_shared>>
        %dma_wait3A_50 = tpu.memref_slice %arg7[%mul3A_48] : memref<10000xi32, #tpu.memory_space<vmem_shared>> -> memref<640xi32, #tpu.memory_space<vmem_shared>>
        tpu.wait_dma2 semaphore(%run_scoped3A : memref<!tpu.dma_semaphore, #tpu.memory_space<semaphore_mem>>) src(%arg6 : memref<640xi32, #tpu.memory_space<vmem>>) dst(%dma_wait3A_50 : memref<640xi32, #tpu.memory_space<vmem_shared>>)
        tpu.yield
      }) : () -> ()
    } else {
    }
    %eq3A = arith.constant 15 : i32
    %eq3A_27 = arith.cmpi eq, %arg1, %eq3A : i32
    %convert_element_type3A_28 = arith.extui %eq3A_27 : i1 to i32
    %cond3A_29 = arith.constant 0 : i32
    %cond3A_30 = arith.cmpi ne, %convert_element_type3A_28, %cond3A_29 : i32
    scf.if %cond3A_30 {
      "tpu.region"() ({
        %run_scoped3A = tpu.sem_alloc : memref<!tpu.dma_semaphore, #tpu.memory_space<semaphore_mem>>
        %dma_start3A = arith.constant 0 : i32
        %dma_start3A_47 = tpu.memref_slice %arg6[%dma_start3A] : memref<640xi32, #tpu.memory_space<vmem>> -> memref<400xi32, #tpu.memory_space<vmem>>
        %dma_start3A_48 = arith.constant 9600 : i32
        %dma_start3A_49 = tpu.memref_slice %arg7[%dma_start3A_48] : memref<10000xi32, #tpu.memory_space<vmem_shared>> -> memref<400xi32, #tpu.memory_space<vmem_shared>>
        %dma_start3A_50 = arith.constant 9600 : i32
        %dma_start3A_51 = tpu.memref_slice %arg7[%dma_start3A_50] : memref<10000xi32, #tpu.memory_space<vmem_shared>> -> memref<400xi32, #tpu.memory_space<vmem_shared>>
        %dma_start3A_52 = arith.constant 0 : i32
        %dma_start3A_53 = tpu.memref_slice %arg6[%dma_start3A_52] : memref<640xi32, #tpu.memory_space<vmem>> -> memref<400xi32, #tpu.memory_space<vmem>>
        tpu.enqueue_dma source(%dma_start3A_53 : memref<400xi32, #tpu.memory_space<vmem>>) target(%dma_start3A_51 : memref<400xi32, #tpu.memory_space<vmem_shared>>) target_semaphore(%run_scoped3A : memref<!tpu.dma_semaphore, #tpu.memory_space<semaphore_mem>>)
        %dma_wait3A = arith.constant 0 : i32
        %dma_wait3A_54 = tpu.memref_slice %arg6[%dma_wait3A] : memref<640xi32, #tpu.memory_space<vmem>> -> memref<400xi32, #tpu.memory_space<vmem>>
        %dma_wait3A_55 = arith.constant 9600 : i32
        %dma_wait3A_56 = tpu.memref_slice %arg7[%dma_wait3A_55] : memref<10000xi32, #tpu.memory_space<vmem_shared>> -> memref<400xi32, #tpu.memory_space<vmem_shared>>
        %dma_wait3A_57 = arith.constant 9600 : i32
        %dma_wait3A_58 = tpu.memref_slice %arg7[%dma_wait3A_57] : memref<10000xi32, #tpu.memory_space<vmem_shared>> -> memref<400xi32, #tpu.memory_space<vmem_shared>>
        %dma_wait3A_59 = arith.constant 0 : i32
        %dma_wait3A_60 = tpu.memref_slice %arg6[%dma_wait3A_59] : memref<640xi32, #tpu.memory_space<vmem>> -> memref<400xi32, #tpu.memory_space<vmem>>
        tpu.wait_dma2 semaphore(%run_scoped3A : memref<!tpu.dma_semaphore, #tpu.memory_space<semaphore_mem>>) src(%dma_wait3A_60 : memref<400xi32, #tpu.memory_space<vmem>>) dst(%dma_wait3A_58 : memref<400xi32, #tpu.memory_space<vmem_shared>>)
        tpu.yield
      }) : () -> ()
    } else {
    }
    %lt3A_31 = arith.constant 25 : i32
    %lt3A_32 = arith.cmpi slt, %add3A, %lt3A_31 : i32
    %convert_element_type3A_33 = arith.extui %lt3A_32 : i1 to i32
    %cond3A_34 = arith.constant 0 : i32
    %cond3A_35 = arith.cmpi ne, %convert_element_type3A_33, %cond3A_34 : i32
    scf.if %cond3A_35 {
      %dma_wait3A = arith.constant 0 : i32
      %dma_wait3A_47 = tpu.memref_slice %arg2[%dma_wait3A, %mul3A_5] : memref<2x320000xi32, #tpu.memory_space<hbm>> -> memref<2x12800xi32, #tpu.memory_space<hbm>>
      %dma_wait3A_48 = arith.constant 0 : i32
      %dma_wait3A_49 = tpu.memref_slice %arg2[%dma_wait3A_48, %mul3A_5] : memref<2x320000xi32, #tpu.memory_space<hbm>> -> memref<2x12800xi32, #tpu.memory_space<hbm>>
      tpu.wait_dma2 semaphore(%arg8 : memref<!tpu.dma_semaphore, #tpu.memory_space<semaphore_mem>>) src(%dma_wait3A_49 : memref<2x12800xi32, #tpu.memory_space<hbm>>) dst(%arg4 : memref<2x12800xi32, #tpu.memory_space<vmem>>)
    } else {
    }
    %barrier3A = arith.constant 0 : index
    tpu.barrier barrier_id(%barrier3A)
    %lt3A_36 = arith.constant 25 : i32
    %lt3A_37 = arith.cmpi slt, %add3A, %lt3A_36 : i32
    %convert_element_type3A_38 = arith.extui %lt3A_37 : i1 to i32
    %cond3A_39 = arith.constant 0 : i32
    %cond3A_40 = arith.cmpi ne, %convert_element_type3A_38, %cond3A_39 : i32
    scf.if %cond3A_40 {
      %dma_start3A = arith.constant 1 : i32
      %dma_start3A_47 = arith.constant 0 : i32
      %dma_start3A_48 = tpu.memref_slice %arg4[%dma_start3A, %dma_start3A_47] : memref<2x12800xi32, #tpu.memory_space<vmem>> -> memref<1x128xi32, #tpu.memory_space<vmem>>
      %dma_start3A_49 = tpu.memref_squeeze %dma_start3A_48 : memref<1x128xi32, #tpu.memory_space<vmem>> -> memref<128xi32, #tpu.memory_space<vmem>>
      %dma_start3A_50 = arith.constant 0 : i32
      %dma_start3A_51 = tpu.memref_slice %arg7[%dma_start3A_50] : memref<10000xi32, #tpu.memory_space<vmem_shared>> -> memref<10000xi32, #tpu.memory_space<vmem_shared>>
      tpu.enqueue_indirect_dma source(%arg5 : memref<128xi32, #tpu.memory_space<vmem>>) target(%dma_start3A_51 : memref<10000xi32, #tpu.memory_space<vmem_shared>>) offsets(%dma_start3A_49 : memref<128xi32, #tpu.memory_space<vmem>>) semaphore(%arg8 : memref<!tpu.dma_semaphore, #tpu.memory_space<semaphore_mem>>) {add = true}
      %dma_start3A_52 = arith.constant 1 : i32
      %dma_start3A_53 = arith.constant 128 : i32
      %dma_start3A_54 = tpu.memref_slice %arg4[%dma_start3A_52, %dma_start3A_53] : memref<2x12800xi32, #tpu.memory_space<vmem>> -> memref<1x128xi32, #tpu.memory_space<vmem>>
      %dma_start3A_55 = tpu.memref_squeeze %dma_start3A_54 : memref<1x128xi32, #tpu.memory_space<vmem>> -> memref<128xi32, #tpu.memory_space<vmem>>
      %dma_start3A_56 = arith.constant 0 : i32
      %dma_start3A_57 = tpu.memref_slice %arg7[%dma_start3A_56] : memref<10000xi32, #tpu.memory_space<vmem_shared>> -> memref<10000xi32, #tpu.memory_space<vmem_shared>>
      tpu.enqueue_indirect_dma source(%arg5 : memref<128xi32, #tpu.memory_space<vmem>>) target(%dma_start3A_57 : memref<10000xi32, #tpu.memory_space<vmem_shared>>) offsets(%dma_start3A_55 : memref<128xi32, #tpu.memory_space<vmem>>) semaphore(%arg8 : memref<!tpu.dma_semaphore, #tpu.memory_space<semaphore_mem>>) {add = true}
      %dma_start3A_58 = arith.constant 1 : i32
      %dma_start3A_59 = arith.constant 256 : i32
      %dma_start3A_60 = tpu.memref_slice %arg4[%dma_start3A_58, %dma_start3A_59] : memref<2x12800xi32, #tpu.memory_space<vmem>> -> memref<1x128xi32, #tpu.memory_space<vmem>>
      %dma_start3A_61 = tpu.memref_squeeze %dma_start3A_60 : memref<1x128xi32, #tpu.memory_space<vmem>> -> memref<128xi32, #tpu.memory_space<vmem>>
      %dma_start3A_62 = arith.constant 0 : i32
      %dma_start3A_63 = tpu.memref_slice %arg7[%dma_start3A_62] : memref<10000xi32, #tpu.memory_space<vmem_shared>> -> memref<10000xi32, #tpu.memory_space<vmem_shared>>
      tpu.enqueue_indirect_dma source(%arg5 : memref<128xi32, #tpu.memory_space<vmem>>) target(%dma_start3A_63 : memref<10000xi32, #tpu.memory_space<vmem_shared>>) offsets(%dma_start3A_61 : memref<128xi32, #tpu.memory_space<vmem>>) semaphore(%arg8 : memref<!tpu.dma_semaphore, #tpu.memory_space<semaphore_mem>>) {add = true}
      %dma_start3A_64 = arith.constant 1 : i32
      %dma_start3A_65 = arith.constant 384 : i32
      %dma_start3A_66 = tpu.memref_slice %arg4[%dma_start3A_64, %dma_start3A_65] : memref<2x12800xi32, #tpu.memory_space<vmem>> -> memref<1x128xi32, #tpu.memory_space<vmem>>
      %dma_start3A_67 = tpu.memref_squeeze %dma_start3A_66 : memref<1x128xi32, #tpu.memory_space<vmem>> -> memref<128xi32, #tpu.memory_space<vmem>>
      %dma_start3A_68 = arith.constant 0 : i32
      %dma_start3A_69 = tpu.memref_slice %arg7[%dma_start3A_68] : memref<10000xi32, #tpu.memory_space<vmem_shared>> -> memref<10000xi32, #tpu.memory_space<vmem_shared>>
      tpu.enqueue_indirect_dma source(%arg5 : memref<128xi32, #tpu.memory_space<vmem>>) target(%dma_start3A_69 : memref<10000xi32, #tpu.memory_space<vmem_shared>>) offsets(%dma_start3A_67 : memref<128xi32, #tpu.memory_space<vmem>>) semaphore(%arg8 : memref<!tpu.dma_semaphore, #tpu.memory_space<semaphore_mem>>) {add = true}
      %dma_start3A_70 = arith.constant 1 : i32
      %dma_start3A_71 = arith.constant 512 : i32
      %dma_start3A_72 = tpu.memref_slice %arg4[%dma_start3A_70, %dma_start3A_71] : memref<2x12800xi32, #tpu.memory_space<vmem>> -> memref<1x128xi32, #tpu.memory_space<vmem>>
      %dma_start3A_73 = tpu.memref_squeeze %dma_start3A_72 : memref<1x128xi32, #tpu.memory_space<vmem>> -> memref<128xi32, #tpu.memory_space<vmem>>
      %dma_start3A_74 = arith.constant 0 : i32
      %dma_start3A_75 = tpu.memref_slice %arg7[%dma_start3A_74] : memref<10000xi32, #tpu.memory_space<vmem_shared>> -> memref<10000xi32, #tpu.memory_space<vmem_shared>>
      tpu.enqueue_indirect_dma source(%arg5 : memref<128xi32, #tpu.memory_space<vmem>>) target(%dma_start3A_75 : memref<10000xi32, #tpu.memory_space<vmem_shared>>) offsets(%dma_start3A_73 : memref<128xi32, #tpu.memory_space<vmem>>) semaphore(%arg8 : memref<!tpu.dma_semaphore, #tpu.memory_space<semaphore_mem>>) {add = true}
      %dma_start3A_76 = arith.constant 1 : i32
      %dma_start3A_77 = arith.constant 640 : i32
      %dma_start3A_78 = tpu.memref_slice %arg4[%dma_start3A_76, %dma_start3A_77] : memref<2x12800xi32, #tpu.memory_space<vmem>> -> memref<1x128xi32, #tpu.memory_space<vmem>>
      %dma_start3A_79 = tpu.memref_squeeze %dma_start3A_78 : memref<1x128xi32, #tpu.memory_space<vmem>> -> memref<128xi32, #tpu.memory_space<vmem>>
      %dma_start3A_80 = arith.constant 0 : i32
      %dma_start3A_81 = tpu.memref_slice %arg7[%dma_start3A_80] : memref<10000xi32, #tpu.memory_space<vmem_shared>> -> memref<10000xi32, #tpu.memory_space<vmem_shared>>
      tpu.enqueue_indirect_dma source(%arg5 : memref<128xi32, #tpu.memory_space<vmem>>) target(%dma_start3A_81 : memref<10000xi32, #tpu.memory_space<vmem_shared>>) offsets(%dma_start3A_79 : memref<128xi32, #tpu.memory_space<vmem>>) semaphore(%arg8 : memref<!tpu.dma_semaphore, #tpu.memory_space<semaphore_mem>>) {add = true}
      %dma_start3A_82 = arith.constant 1 : i32
      %dma_start3A_83 = arith.constant 768 : i32
      %dma_start3A_84 = tpu.memref_slice %arg4[%dma_start3A_82, %dma_start3A_83] : memref<2x12800xi32, #tpu.memory_space<vmem>> -> memref<1x128xi32, #tpu.memory_space<vmem>>
      %dma_start3A_85 = tpu.memref_squeeze %dma_start3A_84 : memref<1x128xi32, #tpu.memory_space<vmem>> -> memref<128xi32, #tpu.memory_space<vmem>>
      %dma_start3A_86 = arith.constant 0 : i32
      %dma_start3A_87 = tpu.memref_slice %arg7[%dma_start3A_86] : memref<10000xi32, #tpu.memory_space<vmem_shared>> -> memref<10000xi32, #tpu.memory_space<vmem_shared>>
      tpu.enqueue_indirect_dma source(%arg5 : memref<128xi32, #tpu.memory_space<vmem>>) target(%dma_start3A_87 : memref<10000xi32, #tpu.memory_space<vmem_shared>>) offsets(%dma_start3A_85 : memref<128xi32, #tpu.memory_space<vmem>>) semaphore(%arg8 : memref<!tpu.dma_semaphore, #tpu.memory_space<semaphore_mem>>) {add = true}
      %dma_start3A_88 = arith.constant 1 : i32
      %dma_start3A_89 = arith.constant 896 : i32
      %dma_start3A_90 = tpu.memref_slice %arg4[%dma_start3A_88, %dma_start3A_89] : memref<2x12800xi32, #tpu.memory_space<vmem>> -> memref<1x128xi32, #tpu.memory_space<vmem>>
      %dma_start3A_91 = tpu.memref_squeeze %dma_start3A_90 : memref<1x128xi32, #tpu.memory_space<vmem>> -> memref<128xi32, #tpu.memory_space<vmem>>
      %dma_start3A_92 = arith.constant 0 : i32
      %dma_start3A_93 = tpu.memref_slice %arg7[%dma_start3A_92] : memref<10000xi32, #tpu.memory_space<vmem_shared>> -> memref<10000xi32, #tpu.memory_space<vmem_shared>>
      tpu.enqueue_indirect_dma source(%arg5 : memref<128xi32, #tpu.memory_space<vmem>>) target(%dma_start3A_93 : memref<10000xi32, #tpu.memory_space<vmem_shared>>) offsets(%dma_start3A_91 : memref<128xi32, #tpu.memory_space<vmem>>) semaphore(%arg8 : memref<!tpu.dma_semaphore, #tpu.memory_space<semaphore_mem>>) {add = true}
      %dma_start3A_94 = arith.constant 1 : i32
      %dma_start3A_95 = arith.constant 1024 : i32
      %dma_start3A_96 = tpu.memref_slice %arg4[%dma_start3A_94, %dma_start3A_95] : memref<2x12800xi32, #tpu.memory_space<vmem>> -> memref<1x128xi32, #tpu.memory_space<vmem>>
      %dma_start3A_97 = tpu.memref_squeeze %dma_start3A_96 : memref<1x128xi32, #tpu.memory_space<vmem>> -> memref<128xi32, #tpu.memory_space<vmem>>
      %dma_start3A_98 = arith.constant 0 : i32
      %dma_start3A_99 = tpu.memref_slice %arg7[%dma_start3A_98] : memref<10000xi32, #tpu.memory_space<vmem_shared>> -> memref<10000xi32, #tpu.memory_space<vmem_shared>>
      tpu.enqueue_indirect_dma source(%arg5 : memref<128xi32, #tpu.memory_space<vmem>>) target(%dma_start3A_99 : memref<10000xi32, #tpu.memory_space<vmem_shared>>) offsets(%dma_start3A_97 : memref<128xi32, #tpu.memory_space<vmem>>) semaphore(%arg8 : memref<!tpu.dma_semaphore, #tpu.memory_space<semaphore_mem>>) {add = true}
      %dma_start3A_100 = arith.constant 1 : i32
      %dma_start3A_101 = arith.constant 1152 : i32
      %dma_start3A_102 = tpu.memref_slice %arg4[%dma_start3A_100, %dma_start3A_101] : memref<2x12800xi32, #tpu.memory_space<vmem>> -> memref<1x128xi32, #tpu.memory_space<vmem>>
      %dma_start3A_103 = tpu.memref_squeeze %dma_start3A_102 : memref<1x128xi32, #tpu.memory_space<vmem>> -> memref<128xi32, #tpu.memory_space<vmem>>
      %dma_start3A_104 = arith.constant 0 : i32
      %dma_start3A_105 = tpu.memref_slice %arg7[%dma_start3A_104] : memref<10000xi32, #tpu.memory_space<vmem_shared>> -> memref<10000xi32, #tpu.memory_space<vmem_shared>>
      tpu.enqueue_indirect_dma source(%arg5 : memref<128xi32, #tpu.memory_space<vmem>>) target(%dma_start3A_105 : memref<10000xi32, #tpu.memory_space<vmem_shared>>) offsets(%dma_start3A_103 : memref<128xi32, #tpu.memory_space<vmem>>) semaphore(%arg8 : memref<!tpu.dma_semaphore, #tpu.memory_space<semaphore_mem>>) {add = true}
      %scan3A_106 = arith.constant 0 : i32
      %scan3A_107 = arith.constant 2 : i32
      %scan3A_108 = arith.constant 18 : i32
      %scan3A_109 = arith.addi %scan3A_107, %scan3A_108 : i32
      %scan3A_110 = arith.constant 1 : i32
      scf.for %scan3A_171 = %scan3A_107 to %scan3A_109 step %scan3A_110  : i32 {
        %mul3A_172 = arith.constant 5 : i32
        %mul3A_173 = arith.muli %scan3A_171, %mul3A_172 : i32
        %add3A_174 = arith.constant 0 : i32
        %add3A_175 = arith.addi %mul3A_173, %add3A_174 : i32
        %mul3A_176 = arith.constant 128 : i32
        %mul3A_177 = arith.muli %add3A_175, %mul3A_176 : i32
        %dma_start3A_178 = arith.constant 1 : i32
        %dma_start3A_179 = tpu.memref_slice %arg4[%dma_start3A_178, %mul3A_177] : memref<2x12800xi32, #tpu.memory_space<vmem>> -> memref<1x128xi32, #tpu.memory_space<vmem>>
        %dma_start3A_180 = tpu.memref_squeeze %dma_start3A_179 : memref<1x128xi32, #tpu.memory_space<vmem>> -> memref<128xi32, #tpu.memory_space<vmem>>
        %dma_start3A_181 = arith.constant 0 : i32
        %dma_start3A_182 = tpu.memref_slice %arg7[%dma_start3A_181] : memref<10000xi32, #tpu.memory_space<vmem_shared>> -> memref<10000xi32, #tpu.memory_space<vmem_shared>>
        tpu.enqueue_indirect_dma source(%arg5 : memref<128xi32, #tpu.memory_space<vmem>>) target(%dma_start3A_182 : memref<10000xi32, #tpu.memory_space<vmem_shared>>) offsets(%dma_start3A_180 : memref<128xi32, #tpu.memory_space<vmem>>) semaphore(%arg8 : memref<!tpu.dma_semaphore, #tpu.memory_space<semaphore_mem>>) {add = true}
        %add3A_183 = arith.constant 1 : i32
        %add3A_184 = arith.addi %mul3A_173, %add3A_183 : i32
        %mul3A_185 = arith.constant 128 : i32
        %mul3A_186 = arith.muli %add3A_184, %mul3A_185 : i32
        %dma_start3A_187 = arith.constant 1 : i32
        %dma_start3A_188 = tpu.memref_slice %arg4[%dma_start3A_187, %mul3A_186] : memref<2x12800xi32, #tpu.memory_space<vmem>> -> memref<1x128xi32, #tpu.memory_space<vmem>>
        %dma_start3A_189 = tpu.memref_squeeze %dma_start3A_188 : memref<1x128xi32, #tpu.memory_space<vmem>> -> memref<128xi32, #tpu.memory_space<vmem>>
        %dma_start3A_190 = arith.constant 0 : i32
        %dma_start3A_191 = tpu.memref_slice %arg7[%dma_start3A_190] : memref<10000xi32, #tpu.memory_space<vmem_shared>> -> memref<10000xi32, #tpu.memory_space<vmem_shared>>
        tpu.enqueue_indirect_dma source(%arg5 : memref<128xi32, #tpu.memory_space<vmem>>) target(%dma_start3A_191 : memref<10000xi32, #tpu.memory_space<vmem_shared>>) offsets(%dma_start3A_189 : memref<128xi32, #tpu.memory_space<vmem>>) semaphore(%arg8 : memref<!tpu.dma_semaphore, #tpu.memory_space<semaphore_mem>>) {add = true}
        %add3A_192 = arith.constant 2 : i32
        %add3A_193 = arith.addi %mul3A_173, %add3A_192 : i32
        %mul3A_194 = arith.constant 128 : i32
        %mul3A_195 = arith.muli %add3A_193, %mul3A_194 : i32
        %dma_start3A_196 = arith.constant 1 : i32
        %dma_start3A_197 = tpu.memref_slice %arg4[%dma_start3A_196, %mul3A_195] : memref<2x12800xi32, #tpu.memory_space<vmem>> -> memref<1x128xi32, #tpu.memory_space<vmem>>
        %dma_start3A_198 = tpu.memref_squeeze %dma_start3A_197 : memref<1x128xi32, #tpu.memory_space<vmem>> -> memref<128xi32, #tpu.memory_space<vmem>>
        %dma_start3A_199 = arith.constant 0 : i32
        %dma_start3A_200 = tpu.memref_slice %arg7[%dma_start3A_199] : memref<10000xi32, #tpu.memory_space<vmem_shared>> -> memref<10000xi32, #tpu.memory_space<vmem_shared>>
        tpu.enqueue_indirect_dma source(%arg5 : memref<128xi32, #tpu.memory_space<vmem>>) target(%dma_start3A_200 : memref<10000xi32, #tpu.memory_space<vmem_shared>>) offsets(%dma_start3A_198 : memref<128xi32, #tpu.memory_space<vmem>>) semaphore(%arg8 : memref<!tpu.dma_semaphore, #tpu.memory_space<semaphore_mem>>) {add = true}
        %add3A_201 = arith.constant 3 : i32
        %add3A_202 = arith.addi %mul3A_173, %add3A_201 : i32
        %mul3A_203 = arith.constant 128 : i32
        %mul3A_204 = arith.muli %add3A_202, %mul3A_203 : i32
        %dma_start3A_205 = arith.constant 1 : i32
        %dma_start3A_206 = tpu.memref_slice %arg4[%dma_start3A_205, %mul3A_204] : memref<2x12800xi32, #tpu.memory_space<vmem>> -> memref<1x128xi32, #tpu.memory_space<vmem>>
        %dma_start3A_207 = tpu.memref_squeeze %dma_start3A_206 : memref<1x128xi32, #tpu.memory_space<vmem>> -> memref<128xi32, #tpu.memory_space<vmem>>
        %dma_start3A_208 = arith.constant 0 : i32
        %dma_start3A_209 = tpu.memref_slice %arg7[%dma_start3A_208] : memref<10000xi32, #tpu.memory_space<vmem_shared>> -> memref<10000xi32, #tpu.memory_space<vmem_shared>>
        tpu.enqueue_indirect_dma source(%arg5 : memref<128xi32, #tpu.memory_space<vmem>>) target(%dma_start3A_209 : memref<10000xi32, #tpu.memory_space<vmem_shared>>) offsets(%dma_start3A_207 : memref<128xi32, #tpu.memory_space<vmem>>) semaphore(%arg8 : memref<!tpu.dma_semaphore, #tpu.memory_space<semaphore_mem>>) {add = true}
        %add3A_210 = arith.constant 4 : i32
        %add3A_211 = arith.addi %mul3A_173, %add3A_210 : i32
        %mul3A_212 = arith.constant 128 : i32
        %mul3A_213 = arith.muli %add3A_211, %mul3A_212 : i32
        %dma_start3A_214 = arith.constant 1 : i32
        %dma_start3A_215 = tpu.memref_slice %arg4[%dma_start3A_214, %mul3A_213] : memref<2x12800xi32, #tpu.memory_space<vmem>> -> memref<1x128xi32, #tpu.memory_space<vmem>>
        %dma_start3A_216 = tpu.memref_squeeze %dma_start3A_215 : memref<1x128xi32, #tpu.memory_space<vmem>> -> memref<128xi32, #tpu.memory_space<vmem>>
        %dma_start3A_217 = arith.constant 0 : i32
        %dma_start3A_218 = tpu.memref_slice %arg7[%dma_start3A_217] : memref<10000xi32, #tpu.memory_space<vmem_shared>> -> memref<10000xi32, #tpu.memory_space<vmem_shared>>
        tpu.enqueue_indirect_dma source(%arg5 : memref<128xi32, #tpu.memory_space<vmem>>) target(%dma_start3A_218 : memref<10000xi32, #tpu.memory_space<vmem_shared>>) offsets(%dma_start3A_216 : memref<128xi32, #tpu.memory_space<vmem>>) semaphore(%arg8 : memref<!tpu.dma_semaphore, #tpu.memory_space<semaphore_mem>>) {add = true}
        %dma_wait3A_219 = arith.constant 1 : i32
        %dma_wait3A_220 = arith.constant 0 : i32
        %dma_wait3A_221 = tpu.memref_slice %arg4[%dma_wait3A_219, %dma_wait3A_220] : memref<2x12800xi32, #tpu.memory_space<vmem>> -> memref<1x128xi32, #tpu.memory_space<vmem>>
        %dma_wait3A_222 = tpu.memref_squeeze %dma_wait3A_221 : memref<1x128xi32, #tpu.memory_space<vmem>> -> memref<128xi32, #tpu.memory_space<vmem>>
        %dma_wait3A_223 = arith.constant 0 : i32
        %dma_wait3A_224 = tpu.memref_slice %arg7[%dma_wait3A_223] : memref<10000xi32, #tpu.memory_space<vmem_shared>> -> memref<10000xi32, #tpu.memory_space<vmem_shared>>
        tpu.wait_indirect_dma semaphore(%arg8 : memref<!tpu.dma_semaphore, #tpu.memory_space<semaphore_mem>>) src(%arg5 : memref<128xi32, #tpu.memory_space<vmem>>) dst(%dma_wait3A_224 : memref<10000xi32, #tpu.memory_space<vmem_shared>>)
        %dma_wait3A_225 = arith.constant 1 : i32
        %dma_wait3A_226 = arith.constant 0 : i32
        %dma_wait3A_227 = tpu.memref_slice %arg4[%dma_wait3A_225, %dma_wait3A_226] : memref<2x12800xi32, #tpu.memory_space<vmem>> -> memref<1x128xi32, #tpu.memory_space<vmem>>
        %dma_wait3A_228 = tpu.memref_squeeze %dma_wait3A_227 : memref<1x128xi32, #tpu.memory_space<vmem>> -> memref<128xi32, #tpu.memory_space<vmem>>
        %dma_wait3A_229 = arith.constant 0 : i32
        %dma_wait3A_230 = tpu.memref_slice %arg7[%dma_wait3A_229] : memref<10000xi32, #tpu.memory_space<vmem_shared>> -> memref<10000xi32, #tpu.memory_space<vmem_shared>>
        tpu.wait_indirect_dma semaphore(%arg8 : memref<!tpu.dma_semaphore, #tpu.memory_space<semaphore_mem>>) src(%arg5 : memref<128xi32, #tpu.memory_space<vmem>>) dst(%dma_wait3A_230 : memref<10000xi32, #tpu.memory_space<vmem_shared>>)
        %dma_wait3A_231 = arith.constant 1 : i32
        %dma_wait3A_232 = arith.constant 0 : i32
        %dma_wait3A_233 = tpu.memref_slice %arg4[%dma_wait3A_231, %dma_wait3A_232] : memref<2x12800xi32, #tpu.memory_space<vmem>> -> memref<1x128xi32, #tpu.memory_space<vmem>>
        %dma_wait3A_234 = tpu.memref_squeeze %dma_wait3A_233 : memref<1x128xi32, #tpu.memory_space<vmem>> -> memref<128xi32, #tpu.memory_space<vmem>>
        %dma_wait3A_235 = arith.constant 0 : i32
        %dma_wait3A_236 = tpu.memref_slice %arg7[%dma_wait3A_235] : memref<10000xi32, #tpu.memory_space<vmem_shared>> -> memref<10000xi32, #tpu.memory_space<vmem_shared>>
        tpu.wait_indirect_dma semaphore(%arg8 : memref<!tpu.dma_semaphore, #tpu.memory_space<semaphore_mem>>) src(%arg5 : memref<128xi32, #tpu.memory_space<vmem>>) dst(%dma_wait3A_236 : memref<10000xi32, #tpu.memory_space<vmem_shared>>)
        %dma_wait3A_237 = arith.constant 1 : i32
        %dma_wait3A_238 = arith.constant 0 : i32
        %dma_wait3A_239 = tpu.memref_slice %arg4[%dma_wait3A_237, %dma_wait3A_238] : memref<2x12800xi32, #tpu.memory_space<vmem>> -> memref<1x128xi32, #tpu.memory_space<vmem>>
        %dma_wait3A_240 = tpu.memref_squeeze %dma_wait3A_239 : memref<1x128xi32, #tpu.memory_space<vmem>> -> memref<128xi32, #tpu.memory_space<vmem>>
        %dma_wait3A_241 = arith.constant 0 : i32
        %dma_wait3A_242 = tpu.memref_slice %arg7[%dma_wait3A_241] : memref<10000xi32, #tpu.memory_space<vmem_shared>> -> memref<10000xi32, #tpu.memory_space<vmem_shared>>
        tpu.wait_indirect_dma semaphore(%arg8 : memref<!tpu.dma_semaphore, #tpu.memory_space<semaphore_mem>>) src(%arg5 : memref<128xi32, #tpu.memory_space<vmem>>) dst(%dma_wait3A_242 : memref<10000xi32, #tpu.memory_space<vmem_shared>>)
        %dma_wait3A_243 = arith.constant 1 : i32
        %dma_wait3A_244 = arith.constant 0 : i32
        %dma_wait3A_245 = tpu.memref_slice %arg4[%dma_wait3A_243, %dma_wait3A_244] : memref<2x12800xi32, #tpu.memory_space<vmem>> -> memref<1x128xi32, #tpu.memory_space<vmem>>
        %dma_wait3A_246 = tpu.memref_squeeze %dma_wait3A_245 : memref<1x128xi32, #tpu.memory_space<vmem>> -> memref<128xi32, #tpu.memory_space<vmem>>
        %dma_wait3A_247 = arith.constant 0 : i32
        %dma_wait3A_248 = tpu.memref_slice %arg7[%dma_wait3A_247] : memref<10000xi32, #tpu.memory_space<vmem_shared>> -> memref<10000xi32, #tpu.memory_space<vmem_shared>>
        tpu.wait_indirect_dma semaphore(%arg8 : memref<!tpu.dma_semaphore, #tpu.memory_space<semaphore_mem>>) src(%arg5 : memref<128xi32, #tpu.memory_space<vmem>>) dst(%dma_wait3A_248 : memref<10000xi32, #tpu.memory_space<vmem_shared>>)
      }
      %scan3A_111 = arith.constant 18 : i32
      %dma_wait3A = arith.constant 1 : i32
      %dma_wait3A_112 = arith.constant 0 : i32
      %dma_wait3A_113 = tpu.memref_slice %arg4[%dma_wait3A, %dma_wait3A_112] : memref<2x12800xi32, #tpu.memory_space<vmem>> -> memref<1x128xi32, #tpu.memory_space<vmem>>
      %dma_wait3A_114 = tpu.memref_squeeze %dma_wait3A_113 : memref<1x128xi32, #tpu.memory_space<vmem>> -> memref<128xi32, #tpu.memory_space<vmem>>
      %dma_wait3A_115 = arith.constant 0 : i32
      %dma_wait3A_116 = tpu.memref_slice %arg7[%dma_wait3A_115] : memref<10000xi32, #tpu.memory_space<vmem_shared>> -> memref<10000xi32, #tpu.memory_space<vmem_shared>>
      tpu.wait_indirect_dma semaphore(%arg8 : memref<!tpu.dma_semaphore, #tpu.memory_space<semaphore_mem>>) src(%arg5 : memref<128xi32, #tpu.memory_space<vmem>>) dst(%dma_wait3A_116 : memref<10000xi32, #tpu.memory_space<vmem_shared>>)
      %dma_wait3A_117 = arith.constant 1 : i32
      %dma_wait3A_118 = arith.constant 0 : i32
      %dma_wait3A_119 = tpu.memref_slice %arg4[%dma_wait3A_117, %dma_wait3A_118] : memref<2x12800xi32, #tpu.memory_space<vmem>> -> memref<1x128xi32, #tpu.memory_space<vmem>>
      %dma_wait3A_120 = tpu.memref_squeeze %dma_wait3A_119 : memref<1x128xi32, #tpu.memory_space<vmem>> -> memref<128xi32, #tpu.memory_space<vmem>>
      %dma_wait3A_121 = arith.constant 0 : i32
      %dma_wait3A_122 = tpu.memref_slice %arg7[%dma_wait3A_121] : memref<10000xi32, #tpu.memory_space<vmem_shared>> -> memref<10000xi32, #tpu.memory_space<vmem_shared>>
      tpu.wait_indirect_dma semaphore(%arg8 : memref<!tpu.dma_semaphore, #tpu.memory_space<semaphore_mem>>) src(%arg5 : memref<128xi32, #tpu.memory_space<vmem>>) dst(%dma_wait3A_122 : memref<10000xi32, #tpu.memory_space<vmem_shared>>)
      %dma_wait3A_123 = arith.constant 1 : i32
      %dma_wait3A_124 = arith.constant 0 : i32
      %dma_wait3A_125 = tpu.memref_slice %arg4[%dma_wait3A_123, %dma_wait3A_124] : memref<2x12800xi32, #tpu.memory_space<vmem>> -> memref<1x128xi32, #tpu.memory_space<vmem>>
      %dma_wait3A_126 = tpu.memref_squeeze %dma_wait3A_125 : memref<1x128xi32, #tpu.memory_space<vmem>> -> memref<128xi32, #tpu.memory_space<vmem>>
      %dma_wait3A_127 = arith.constant 0 : i32
      %dma_wait3A_128 = tpu.memref_slice %arg7[%dma_wait3A_127] : memref<10000xi32, #tpu.memory_space<vmem_shared>> -> memref<10000xi32, #tpu.memory_space<vmem_shared>>
      tpu.wait_indirect_dma semaphore(%arg8 : memref<!tpu.dma_semaphore, #tpu.memory_space<semaphore_mem>>) src(%arg5 : memref<128xi32, #tpu.memory_space<vmem>>) dst(%dma_wait3A_128 : memref<10000xi32, #tpu.memory_space<vmem_shared>>)
      %dma_wait3A_129 = arith.constant 1 : i32
      %dma_wait3A_130 = arith.constant 0 : i32
      %dma_wait3A_131 = tpu.memref_slice %arg4[%dma_wait3A_129, %dma_wait3A_130] : memref<2x12800xi32, #tpu.memory_space<vmem>> -> memref<1x128xi32, #tpu.memory_space<vmem>>
      %dma_wait3A_132 = tpu.memref_squeeze %dma_wait3A_131 : memref<1x128xi32, #tpu.memory_space<vmem>> -> memref<128xi32, #tpu.memory_space<vmem>>
      %dma_wait3A_133 = arith.constant 0 : i32
      %dma_wait3A_134 = tpu.memref_slice %arg7[%dma_wait3A_133] : memref<10000xi32, #tpu.memory_space<vmem_shared>> -> memref<10000xi32, #tpu.memory_space<vmem_shared>>
      tpu.wait_indirect_dma semaphore(%arg8 : memref<!tpu.dma_semaphore, #tpu.memory_space<semaphore_mem>>) src(%arg5 : memref<128xi32, #tpu.memory_space<vmem>>) dst(%dma_wait3A_134 : memref<10000xi32, #tpu.memory_space<vmem_shared>>)
      %dma_wait3A_135 = arith.constant 1 : i32
      %dma_wait3A_136 = arith.constant 0 : i32
      %dma_wait3A_137 = tpu.memref_slice %arg4[%dma_wait3A_135, %dma_wait3A_136] : memref<2x12800xi32, #tpu.memory_space<vmem>> -> memref<1x128xi32, #tpu.memory_space<vmem>>
      %dma_wait3A_138 = tpu.memref_squeeze %dma_wait3A_137 : memref<1x128xi32, #tpu.memory_space<vmem>> -> memref<128xi32, #tpu.memory_space<vmem>>
      %dma_wait3A_139 = arith.constant 0 : i32
      %dma_wait3A_140 = tpu.memref_slice %arg7[%dma_wait3A_139] : memref<10000xi32, #tpu.memory_space<vmem_shared>> -> memref<10000xi32, #tpu.memory_space<vmem_shared>>
      tpu.wait_indirect_dma semaphore(%arg8 : memref<!tpu.dma_semaphore, #tpu.memory_space<semaphore_mem>>) src(%arg5 : memref<128xi32, #tpu.memory_space<vmem>>) dst(%dma_wait3A_140 : memref<10000xi32, #tpu.memory_space<vmem_shared>>)
      %dma_wait3A_141 = arith.constant 1 : i32
      %dma_wait3A_142 = arith.constant 0 : i32
      %dma_wait3A_143 = tpu.memref_slice %arg4[%dma_wait3A_141, %dma_wait3A_142] : memref<2x12800xi32, #tpu.memory_space<vmem>> -> memref<1x128xi32, #tpu.memory_space<vmem>>
      %dma_wait3A_144 = tpu.memref_squeeze %dma_wait3A_143 : memref<1x128xi32, #tpu.memory_space<vmem>> -> memref<128xi32, #tpu.memory_space<vmem>>
      %dma_wait3A_145 = arith.constant 0 : i32
      %dma_wait3A_146 = tpu.memref_slice %arg7[%dma_wait3A_145] : memref<10000xi32, #tpu.memory_space<vmem_shared>> -> memref<10000xi32, #tpu.memory_space<vmem_shared>>
      tpu.wait_indirect_dma semaphore(%arg8 : memref<!tpu.dma_semaphore, #tpu.memory_space<semaphore_mem>>) src(%arg5 : memref<128xi32, #tpu.memory_space<vmem>>) dst(%dma_wait3A_146 : memref<10000xi32, #tpu.memory_space<vmem_shared>>)
      %dma_wait3A_147 = arith.constant 1 : i32
      %dma_wait3A_148 = arith.constant 0 : i32
      %dma_wait3A_149 = tpu.memref_slice %arg4[%dma_wait3A_147, %dma_wait3A_148] : memref<2x12800xi32, #tpu.memory_space<vmem>> -> memref<1x128xi32, #tpu.memory_space<vmem>>
      %dma_wait3A_150 = tpu.memref_squeeze %dma_wait3A_149 : memref<1x128xi32, #tpu.memory_space<vmem>> -> memref<128xi32, #tpu.memory_space<vmem>>
      %dma_wait3A_151 = arith.constant 0 : i32
      %dma_wait3A_152 = tpu.memref_slice %arg7[%dma_wait3A_151] : memref<10000xi32, #tpu.memory_space<vmem_shared>> -> memref<10000xi32, #tpu.memory_space<vmem_shared>>
      tpu.wait_indirect_dma semaphore(%arg8 : memref<!tpu.dma_semaphore, #tpu.memory_space<semaphore_mem>>) src(%arg5 : memref<128xi32, #tpu.memory_space<vmem>>) dst(%dma_wait3A_152 : memref<10000xi32, #tpu.memory_space<vmem_shared>>)
      %dma_wait3A_153 = arith.constant 1 : i32
      %dma_wait3A_154 = arith.constant 0 : i32
      %dma_wait3A_155 = tpu.memref_slice %arg4[%dma_wait3A_153, %dma_wait3A_154] : memref<2x12800xi32, #tpu.memory_space<vmem>> -> memref<1x128xi32, #tpu.memory_space<vmem>>
      %dma_wait3A_156 = tpu.memref_squeeze %dma_wait3A_155 : memref<1x128xi32, #tpu.memory_space<vmem>> -> memref<128xi32, #tpu.memory_space<vmem>>
      %dma_wait3A_157 = arith.constant 0 : i32
      %dma_wait3A_158 = tpu.memref_slice %arg7[%dma_wait3A_157] : memref<10000xi32, #tpu.memory_space<vmem_shared>> -> memref<10000xi32, #tpu.memory_space<vmem_shared>>
      tpu.wait_indirect_dma semaphore(%arg8 : memref<!tpu.dma_semaphore, #tpu.memory_space<semaphore_mem>>) src(%arg5 : memref<128xi32, #tpu.memory_space<vmem>>) dst(%dma_wait3A_158 : memref<10000xi32, #tpu.memory_space<vmem_shared>>)
      %dma_wait3A_159 = arith.constant 1 : i32
      %dma_wait3A_160 = arith.constant 0 : i32
      %dma_wait3A_161 = tpu.memref_slice %arg4[%dma_wait3A_159, %dma_wait3A_160] : memref<2x12800xi32, #tpu.memory_space<vmem>> -> memref<1x128xi32, #tpu.memory_space<vmem>>
      %dma_wait3A_162 = tpu.memref_squeeze %dma_wait3A_161 : memref<1x128xi32, #tpu.memory_space<vmem>> -> memref<128xi32, #tpu.memory_space<vmem>>
      %dma_wait3A_163 = arith.constant 0 : i32
      %dma_wait3A_164 = tpu.memref_slice %arg7[%dma_wait3A_163] : memref<10000xi32, #tpu.memory_space<vmem_shared>> -> memref<10000xi32, #tpu.memory_space<vmem_shared>>
      tpu.wait_indirect_dma semaphore(%arg8 : memref<!tpu.dma_semaphore, #tpu.memory_space<semaphore_mem>>) src(%arg5 : memref<128xi32, #tpu.memory_space<vmem>>) dst(%dma_wait3A_164 : memref<10000xi32, #tpu.memory_space<vmem_shared>>)
      %dma_wait3A_165 = arith.constant 1 : i32
      %dma_wait3A_166 = arith.constant 0 : i32
      %dma_wait3A_167 = tpu.memref_slice %arg4[%dma_wait3A_165, %dma_wait3A_166] : memref<2x12800xi32, #tpu.memory_space<vmem>> -> memref<1x128xi32, #tpu.memory_space<vmem>>
      %dma_wait3A_168 = tpu.memref_squeeze %dma_wait3A_167 : memref<1x128xi32, #tpu.memory_space<vmem>> -> memref<128xi32, #tpu.memory_space<vmem>>
      %dma_wait3A_169 = arith.constant 0 : i32
      %dma_wait3A_170 = tpu.memref_slice %arg7[%dma_wait3A_169] : memref<10000xi32, #tpu.memory_space<vmem_shared>> -> memref<10000xi32, #tpu.memory_space<vmem_shared>>
      tpu.wait_indirect_dma semaphore(%arg8 : memref<!tpu.dma_semaphore, #tpu.memory_space<semaphore_mem>>) src(%arg5 : memref<128xi32, #tpu.memory_space<vmem>>) dst(%dma_wait3A_170 : memref<10000xi32, #tpu.memory_space<vmem_shared>>)
    } else {
    }
    %barrier3A_41 = arith.constant 0 : index
    tpu.barrier barrier_id(%barrier3A_41)
    %eq3A_42 = arith.constant 0 : i32
    %eq3A_43 = arith.cmpi eq, %arg1, %eq3A_42 : i32
    %convert_element_type3A_44 = arith.extui %eq3A_43 : i1 to i32
    %cond3A_45 = arith.constant 0 : i32
    %cond3A_46 = arith.cmpi ne, %convert_element_type3A_44, %cond3A_45 : i32
    scf.if %cond3A_46 {
      %run_scoped3A = arith.constant 0 : i32
      "tpu.region"() ({
        %run_scoped3A_47 = tpu.sem_alloc : memref<!tpu.dma_semaphore, #tpu.memory_space<semaphore_mem>>
        %dma_start3A = arith.constant 0 : i32
        %dma_start3A_48 = tpu.memref_slice %arg3[%arg0, %run_scoped3A, %dma_start3A] : memref<2x1x10000xi32, #tpu.memory_space<hbm>> -> memref<1x1x10000xi32, #tpu.memory_space<hbm>>
        %dma_start3A_49 = tpu.memref_squeeze %dma_start3A_48 : memref<1x1x10000xi32, #tpu.memory_space<hbm>> -> memref<10000xi32, #tpu.memory_space<hbm>>
        tpu.enqueue_dma source(%arg7 : memref<10000xi32, #tpu.memory_space<vmem_shared>>) target(%dma_start3A_49 : memref<10000xi32, #tpu.memory_space<hbm>>) target_semaphore(%run_scoped3A_47 : memref<!tpu.dma_semaphore, #tpu.memory_space<semaphore_mem>>)
        %dma_wait3A = arith.constant 0 : i32
        %dma_wait3A_50 = tpu.memref_slice %arg3[%arg0, %run_scoped3A, %dma_wait3A] : memref<2x1x10000xi32, #tpu.memory_space<hbm>> -> memref<1x1x10000xi32, #tpu.memory_space<hbm>>
        %dma_wait3A_51 = tpu.memref_squeeze %dma_wait3A_50 : memref<1x1x10000xi32, #tpu.memory_space<hbm>> -> memref<10000xi32, #tpu.memory_space<hbm>>
        tpu.wait_dma2 semaphore(%run_scoped3A_47 : memref<!tpu.dma_semaphore, #tpu.memory_space<semaphore_mem>>) src(%arg7 : memref<10000xi32, #tpu.memory_space<vmem_shared>>) dst(%dma_wait3A_51 : memref<10000xi32, #tpu.memory_space<hbm>>)
        tpu.yield
      }) : () -> ()
    } else {
    }
    return
  }
}

module attributes {stable_mosaic.version = 14 : i64} {
  func.func @_quant_body(%arg0: i32, %arg1: memref<2x1x10000xi32, #tpu.memory_space<vmem>>, %arg2: memref<128x1xf32, #tpu.memory_space<vmem>>, %arg3: memref<128x1xf32, #tpu.memory_space<vmem>>, %arg4: memref<2000x128xf32, #tpu.memory_space<vmem>>, %arg5: memref<2000x128xf32, #tpu.memory_space<vmem>>, %arg6: memref<1x1xf32, #tpu.memory_space<vmem>>, %arg7: memref<10000x2xf32, #tpu.memory_space<vmem>>) attributes {dimension_semantics = [#tpu.dimension_semantics<arbitrary>], iteration_bounds = array<i64: 5>, scalar_prefetch = 0 : i64, scratch_operands = 1 : i64, tpu.core_type = #tpu.core_type<tc>, window_params = [{pipeline_mode = #tpu.pipeline_mode<synchronous>, transform_indices = @transform_0, window_bounds = array<i64: 2, 1, 10000>}, {pipeline_mode = #tpu.pipeline_mode<synchronous>, transform_indices = @transform_1, window_bounds = array<i64: 128, 1>}, {pipeline_mode = #tpu.pipeline_mode<synchronous>, transform_indices = @transform_2, window_bounds = array<i64: 128, 1>}, {transform_indices = @transform_3, window_bounds = array<i64: 2000, 128>}, {transform_indices = @transform_4, window_bounds = array<i64: 2000, 128>}, {pipeline_mode = #tpu.pipeline_mode<synchronous>, transform_indices = @transform_5, window_bounds = array<i64: 1, 1>}]} {
    %eq3A = arith.constant 0 : i32
    %eq3A_0 = arith.cmpi eq, %arg0, %eq3A : i32
    %convert_element_type3A = arith.extui %eq3A_0 : i1 to i32
    %cond3A = arith.constant 0 : i32
    %cond3A_1 = arith.cmpi ne, %convert_element_type3A, %cond3A : i32
    scf.if %cond3A_1 {
      %get3A_18 = arith.constant 0 : index
      %get3A_19 = arith.constant 0 : index
      %get3A_20 = arith.constant 0 : index
      %get3A_21 = vector.load %arg1[%get3A_18, %get3A_19, %get3A_20] : memref<2x1x10000xi32, #tpu.memory_space<vmem>>, vector<2x1x10000xi32>
      %slice3A_22 = vector.extract_strided_slice %get3A_21 {offsets = [0, 0, 0], sizes = [1, 1, 10000], strides = [1, 1, 1]} : vector<2x1x10000xi32> to vector<1x1x10000xi32>
      %squeeze3A = vector.shape_cast %slice3A_22 : vector<1x1x10000xi32> to vector<1x10000xi32>
      %slice3A_23 = vector.extract_strided_slice %get3A_21 {offsets = [1, 0, 0], sizes = [1, 1, 10000], strides = [1, 1, 1]} : vector<2x1x10000xi32> to vector<1x1x10000xi32>
      %squeeze3A_24 = vector.shape_cast %slice3A_23 : vector<1x1x10000xi32> to vector<1x10000xi32>
      %add3A = arith.addi %squeeze3A, %squeeze3A_24 : vector<1x10000xi32>
      %min3A_25 = arith.constant 127 : i32
      %min3A_26 = vector.broadcast %min3A_25 : i32 to vector<1x10000xi32>
      %min3A_27 = arith.minsi %add3A, %min3A_26 : vector<1x10000xi32>
      %iota3A = tpu.iota {dimensions = array<i32: 0>} : vector<128x10000xi32>
      %eq3A_28 = vector.broadcast %min3A_27 : vector<1x10000xi32> to vector<128x10000xi32>
      %eq3A_29 = arith.cmpi eq, %iota3A, %eq3A_28 : vector<128x10000xi32>
      %convert_element_type3A_30 = arith.extui %eq3A_29 : vector<128x10000xi1> to vector<128x10000xi32>
      %convert_element_type3A_31 = arith.sitofp %convert_element_type3A_30 : vector<128x10000xi32> to vector<128x10000xf32>
      %get3A_32 = arith.constant 0 : index
      %get3A_33 = arith.constant 0 : index
      %get3A_34 = vector.load %arg2[%get3A_32, %get3A_33] : memref<128x1xf32, #tpu.memory_space<vmem>>, vector<128x1xf32>
      %abs3A = math.absf %get3A_34 : vector<128x1xf32>
      %max3A_35 = arith.constant 9.99999996E-13 : f32
      %max3A_36 = vector.broadcast %max3A_35 : f32 to vector<128x1xf32>
      %max3A_37 = arith.maximumf %abs3A, %max3A_36 : vector<128x1xf32>
      %get3A_38 = arith.constant 0 : index
      %get3A_39 = arith.constant 0 : index
      %get3A_40 = vector.load %arg3[%get3A_38, %get3A_39] : memref<128x1xf32, #tpu.memory_space<vmem>>, vector<128x1xf32>
      %round3A_41 = math.roundeven %get3A_40 : vector<128x1xf32>
      %jit3A = arith.constant 1.000000e+00 : f32
      %jit3A_42 = arith.constant 3.200000e+01 : f32
      %max3A_43 = vector.broadcast %jit3A : f32 to vector<128x1xf32>
      %max3A_44 = arith.maximumf %max3A_43, %round3A_41 : vector<128x1xf32>
      %min3A_45 = vector.broadcast %jit3A_42 : f32 to vector<128x1xf32>
      %min3A_46 = arith.minimumf %min3A_45, %max3A_44 : vector<128x1xf32>
      %sub3A = arith.constant 1.000000e+00 : f32
      %sub3A_47 = vector.broadcast %sub3A : f32 to vector<128x1xf32>
      %sub3A_48 = arith.subf %min3A_46, %sub3A_47 : vector<128x1xf32>
      %exp23A = math.exp2 %sub3A_48 : vector<128x1xf32>
      %sub3A_49 = arith.constant 1.000000e+00 : f32
      %sub3A_50 = vector.broadcast %sub3A_49 : f32 to vector<128x1xf32>
      %sub3A_51 = arith.subf %exp23A, %sub3A_50 : vector<128x1xf32>
      %concatenate3A = tpu.concatenate %max3A_37, %sub3A_51 in 1 : vector<128x1xf32>, vector<128x1xf32> -> vector<128x2xf32>
      %dot_general3A = arith.constant dense<0.000000e+00> : vector<10000x2xf32>
      %dot_general3A_52 = tpu.matmul %convert_element_type3A_31, %concatenate3A, %dot_general3A {dimension_numbers = #tpu.dot_dimension_numbers<[0], [0], [1], [1], [0, 1, 1, 1], [], []>, transpose_lhs_hint = false} : vector<128x10000xf32>, vector<128x2xf32>, vector<10000x2xf32> -> vector<10000x2xf32>
      %swap3A_53 = arith.constant 0 : index
      %swap3A_54 = arith.constant 0 : index
      %swap3A_55 = vector.load %arg7[%swap3A_53, %swap3A_54] : memref<10000x2xf32, #tpu.memory_space<vmem>>, vector<10000x2xf32>
      tpu.vector_store %arg7[%swap3A_53, %swap3A_54], %dot_general3A_52 {strides = array<i32>} : memref<10000x2xf32, #tpu.memory_space<vmem>>, vector<10000x2xf32>,
      %reduce_max3A = arith.constant dense<0xFF800000> : vector<128xf32>
      %reduce_max3A_56 = vector.multi_reduction <maximumf>, %convert_element_type3A_31, %reduce_max3A [1] : vector<128x10000xf32> to vector<128xf32>
      %broadcast_in_dim3A = vector.shape_cast %reduce_max3A_56 : vector<128xf32> to vector<128x1xf32>
      %get3A_57 = arith.constant 0 : index
      %get3A_58 = arith.constant 0 : index
      %get3A_59 = vector.load %arg3[%get3A_57, %get3A_58] : memref<128x1xf32, #tpu.memory_space<vmem>>, vector<128x1xf32>
      %dot_general3A_60 = arith.constant dense<0.000000e+00> : vector<1x1xf32>
      %dot_general3A_61 = tpu.matmul %broadcast_in_dim3A, %get3A_59, %dot_general3A_60 {dimension_numbers = #tpu.dot_dimension_numbers<[0], [0], [1], [1], [0, 1, 1, 1], [], []>, transpose_lhs_hint = false} : vector<128x1xf32>, vector<128x1xf32>, vector<1x1xf32> -> vector<1x1xf32>
      %mul3A_62 = arith.constant 1.562500e-02 : f32
      %mul3A_63 = vector.broadcast %mul3A_62 : f32 to vector<1x1xf32>
      %mul3A_64 = arith.mulf %dot_general3A_61, %mul3A_63 : vector<1x1xf32>
      %swap3A_65 = arith.constant 0 : index
      %swap3A_66 = arith.constant 0 : index
      %swap3A_67 = vector.load %arg6[%swap3A_65, %swap3A_66] : memref<1x1xf32, #tpu.memory_space<vmem>>, vector<1x1xf32>
      tpu.vector_store %arg6[%swap3A_65, %swap3A_66], %mul3A_64 {strides = array<i32>} : memref<1x1xf32, #tpu.memory_space<vmem>>, vector<1x1xf32>,
    } else {
    }
    %mul3A = arith.constant 2000 : i32
    %mul3A_2 = arith.muli %arg0, %mul3A : i32
    %get3A = arith.index_cast %mul3A_2 : i32 to index
    %get3A_3 = arith.constant 0 : index
    %get3A_4 = vector.load %arg7[%get3A, %get3A_3] : memref<10000x2xf32, #tpu.memory_space<vmem>>, vector<2000x2xf32>
    %slice3A = vector.extract_strided_slice %get3A_4 {offsets = [0, 0], sizes = [2000, 1], strides = [1, 1]} : vector<2000x2xf32> to vector<2000x1xf32>
    %slice3A_5 = vector.extract_strided_slice %get3A_4 {offsets = [0, 1], sizes = [2000, 1], strides = [1, 1]} : vector<2000x2xf32> to vector<2000x1xf32>
    %get3A_6 = arith.constant 0 : index
    %get3A_7 = arith.constant 0 : index
    %get3A_8 = vector.load %arg4[%get3A_6, %get3A_7] : memref<2000x128xf32, #tpu.memory_space<vmem>>, vector<2000x128xf32>
    %div3A = vector.broadcast %slice3A : vector<2000x1xf32> to vector<2000x128xf32>
    %div3A_9 = arith.divf %get3A_8, %div3A : vector<2000x128xf32>
    %round3A = math.roundeven %div3A_9 : vector<2000x128xf32>
    %neg3A = arith.constant 0.000000e+00 : f32
    %neg3A_10 = vector.broadcast %neg3A : f32 to vector<2000x1xf32>
    %neg3A_11 = arith.subf %neg3A_10, %slice3A_5 : vector<2000x1xf32>
    %max3A = vector.broadcast %neg3A_11 : vector<2000x1xf32> to vector<2000x128xf32>
    %max3A_12 = arith.maximumf %max3A, %round3A : vector<2000x128xf32>
    %min3A = vector.broadcast %slice3A_5 : vector<2000x1xf32> to vector<2000x128xf32>
    %min3A_13 = arith.minimumf %min3A, %max3A_12 : vector<2000x128xf32>
    %mul3A_14 = vector.broadcast %slice3A : vector<2000x1xf32> to vector<2000x128xf32>
    %mul3A_15 = arith.mulf %min3A_13, %mul3A_14 : vector<2000x128xf32>
    %swap3A = arith.constant 0 : index
    %swap3A_16 = arith.constant 0 : index
    %swap3A_17 = vector.load %arg5[%swap3A, %swap3A_16] : memref<2000x128xf32, #tpu.memory_space<vmem>>, vector<2000x128xf32>
    tpu.vector_store %arg5[%swap3A, %swap3A_16], %mul3A_15 {strides = array<i32>} : memref<2000x128xf32, #tpu.memory_space<vmem>>, vector<2000x128xf32>,
    return
  }
  func.func @transform_0(%arg0: i32) -> (i32, i32, i32) {
    %c0_i32 = arith.constant 0 : i32
    %c0_i32_0 = arith.constant 0 : i32
    %c0_i32_1 = arith.constant 0 : i32
    %c0_i32_2 = arith.constant 0 : i32
    return %c0_i32, %c0_i32_0, %c0_i32_1 : i32, i32, i32
  }
  func.func @transform_1(%arg0: i32) -> (i32, i32) {
    %c0_i32 = arith.constant 0 : i32
    %c0_i32_0 = arith.constant 0 : i32
    %c0_i32_1 = arith.constant 0 : i32
    return %c0_i32, %c0_i32_0 : i32, i32
  }
  func.func @transform_2(%arg0: i32) -> (i32, i32) {
    %c0_i32 = arith.constant 0 : i32
    %c0_i32_0 = arith.constant 0 : i32
    %c0_i32_1 = arith.constant 0 : i32
    return %c0_i32, %c0_i32_0 : i32, i32
  }
  func.func @transform_3(%arg0: i32) -> (i32, i32) {
    %c0_i32 = arith.constant 0 : i32
    %c0_i32_0 = arith.constant 0 : i32
    return %arg0, %c0_i32 : i32, i32
  }
  func.func @transform_4(%arg0: i32) -> (i32, i32) {
    %c0_i32 = arith.constant 0 : i32
    %c0_i32_0 = arith.constant 0 : i32
    return %arg0, %c0_i32 : i32, i32
  }
  func.func @transform_5(%arg0: i32) -> (i32, i32) {
    %c0_i32 = arith.constant 0 : i32
    %c0_i32_0 = arith.constant 0 : i32
    %c0_i32_1 = arith.constant 0 : i32
    return %c0_i32, %c0_i32_0 : i32, i32
  }
}

</mosaic_0001>

<sc_bundles>
// kernel: kernel.4.cloned.1.call-start
scs
__scs_entry_jumppad:
0x0: {  	(pc) =	sbr.rel $0x88, $3  }
0x1: {  	(tag) =	ssettag $0x0;
	lr =	simm.s32 $0x1  }
0x2: {  	[smem:$0x3F9D] =	sst lr;
	_ =	strace $0xD0000000  }
0x3: {  	_ = 	snop  }
0x4: {  	_ = 	snop  }
0x5: {  	_ = 	snop  }
0x6: {  	_ = 	snop  }
0x7: {  	_ = 	snop  }
__scs_overlays_trampoline_lowered:
0x8: {  	[smem:$0x3FAC] =	sst s0  }
0x9: {  	[smem:$0x3FAD] =	sst s1  }
0xa: {  	[smem:$0x3FAE] =	sst s2  }
0xb: {  	[smem:$0x3FAF] =	sst s3  }
0xc: {  	[smem:$0x3FB0] =	sst s4  }
0xd: {  	[smem:$0x3FB1] =	sst s5  }
0xe: {  	[smem:$0x3FB2] =	sst s6  }
0xf: {  	[smem:$0x3FB3] =	sst s7  }
0x10: {  	[smem:$0x3FB4] =	sst s8  }
0x11: {  	[smem:$0x3FB5] =	sst s9;
	s0 =	simm.s32 @!p0 $0x0  }
0x12: {  	s1 =	sld [smem:$0x3F9B];
	s0 =	simm.s32 @p0 $0x1  }
0x13: {  	[smem:$0x3FB6] =	sst s0;
	s0 =	simm.s32 @!p1 $0x0  }
0x14: {  	s2 =	sld [smem:$0x3F9A];
	s0 =	simm.s32 @p1 $0x1  }
0x15: {  	[smem:$0x3FB7] =	sst s0;
	s0 =	simm.s32 @!p2 $0x0  }
0x16: {  	s3 =	sld [smem:$0x3FDB];
	s0 =	simm.s32 @p2 $0x1  }
0x17: {  	s4 =	simm.s32 $0x1BF5;
	[smem:$0x3FB9] =	sst s0  }
0x18: {  	s0 =	sld [smem:$0x3F9C];
	_ =	swait.ge [sflag:s4], $0x0  }
0x19: {  	s7 =	sld [smem:$0x3F9D]  }
0x1a: {  	s8 =	sadd.s32 $0xFFFFE003, lr  }
0x1b: {  	s9 =	sadd.s32 $0xFFFFFEF7, lr;
	s5 =	simm.s32 $0xFFFFFFFF;
	p2 =	slt.u32 s8, $0xFFFFF086  }
0x1c: {  	p1 =	slt.u32 s9, $0xF7A;
	s5 =	simm.s32 @!p2 $0x0  }
0x1d: {  	s5 =	simm.s32 @p1 $0x1;
	p0 =	seq.s32 s7, s2  }
0x1e: {  	s7 =	smul.u32 @!p0 $0xF7A, s2;
	p2 =	seq.s32 @!p0 s5, $0x0  }
0x1f: {  	s9 =	smul.u32 $0xF7A, s1;
	s8 =	simm.s32 @!p0 $0x1BF5;
	p2 =	por !p2, p0  }
0x20: {  	[sflag:s8] =	ssyncset.s32 @!p0 $0xFFFFF086;
	s6 =	sadd.s32 @!p0 s3, s7;
	s7 =	simm.s32 @!p0 $0x108  }
0x21: {  	s3 =	sadd.s32 s3, s9;
	s6 =	sadd.s32 @!p0 $0x88, s6;
	s7 =	simm.s32 @p2 $0x1082  }
0x22: {  	[simem:s7], [sflag:s8] =	dma.local @!p0 [hbm:s6], $0xF7A  }
0x23: {  	s9 =	sor.u32 $0xD0000000, s2;
	s6 =	simm.s32 $0x108;
	_ =	swait.ge @!p0 [sflag:s8], $0x0  }
0x24: {  	s3 =	sadd.s32 $0x88, s3;
	s6 =	simm.s32 @!p1 $0x1082;
	[sflag:s4] =	ssyncset.s32 $0xFFFFF086  }
0x25: {  	[simem:s6], [sflag:s4] =	dma.local [hbm:s3], $0xF7A  }
0x26: {  	[smem:$0x3F9D] =	sst s1;
	(tag) =	ssettag s2;
	_ =	strace s9  }
0x27: {  	s1 =	sld [smem:$0x3FAD]  }
0x28: {  	s2 =	sld [smem:$0x3FAE]  }
0x29: {  	s4 =	sld [smem:$0x3FB0]  }
0x2a: {  	p0 =	seq.s32 s5, $0x0;
	s5 =	sld [smem:$0x3FB1]  }
0x2b: {  	s6 =	sld [smem:$0x3FB2]  }
0x2c: {  	s7 =	sld [smem:$0x3FB3]  }
0x2d: {  	s3 =	simm.s32 $0x108;
	s8 =	sld [smem:$0x3FB4]  }
0x2e: {  	s3 =	simm.s32 @!p0 $0x1082;
	s9 =	sld [smem:$0x3FB5]  }
0x2f: {  	lr =	sadd.s32 s0, s3;
	s0 =	sld [smem:$0x3FAC]  }
0x30: {  	s3 =	sld [smem:$0x3FAF]  }
0x31: {  	[smem:$0x3FB8] =	sst s10  }
0x32: {  	s10 =	sld [smem:$0x3FB6];
	_ =	sdelay $0x3  }
0x33: {  	p0 =	seq.s32 s10, $0x1;
	s10 =	sld [smem:$0x3FB8];
	_ =	sdelay $0x3  }
0x34: {  	[smem:$0x3FB8] =	sst s10  }
0x35: {  	s10 =	sld [smem:$0x3FB7];
	_ =	sdelay $0x3  }
0x36: {  	p1 =	seq.s32 s10, $0x1;
	s10 =	sld [smem:$0x3FB8];
	_ =	sdelay $0x3  }
0x37: {  	[smem:$0x3FB8] =	sst s10  }
0x38: {  	s10 =	sld [smem:$0x3FB9]  }
0x39: {  	_ = 	snop;
	(pc) =	sbr.ind lr, $3  }
0x3a: {  	_ = 	snop  }
0x3b: {  	_ = 	snop  }
0x3c: {  	p2 =	seq.s32 s10, $0x1;
	s10 =	sld [smem:$0x3FB8]  }
0x3d: {  	_ =	shalt  }
0x3e: {  	_ =	shalt  }
0x3f: {  	_ =	shalt  }
0x40: {  	_ =	shalt  }
0x41: {  	_ =	shalt  }
0x42: {  	_ =	shalt  }
0x43: {  	_ =	shalt  }
0x44: {  	_ =	shalt  }
0x45: {  	_ =	shalt  }
0x46: {  	_ =	shalt  }
0x47: {  	_ =	shalt  }
0x48: {  	_ =	shalt  }
0x49: {  	_ =	shalt  }
0x4a: {  	_ =	shalt  }
0x4b: {  	_ =	shalt  }
0x4c: {  	_ =	shalt  }
0x4d: {  	_ =	shalt  }
0x4e: {  	_ =	shalt  }
0x4f: {  	_ =	shalt  }
0x50: {  	_ =	shalt  }
0x51: {  	_ =	shalt  }
0x52: {  	_ =	shalt  }
0x53: {  	_ =	shalt  }
0x54: {  	_ =	shalt  }
0x55: {  	_ =	shalt  }
0x56: {  	_ =	shalt  }
0x57: {  	_ =	shalt  }
0x58: {  	_ =	shalt  }
0x59: {  	_ =	shalt  }
0x5a: {  	_ =	shalt  }
0x5b: {  	_ =	shalt  }
0x5c: {  	_ =	shalt  }
0x5d: {  	_ =	shalt  }
0x5e: {  	_ =	shalt  }
0x5f: {  	_ =	shalt  }
0x60: {  	_ =	shalt  }
0x61: {  	_ =	shalt  }
0x62: {  	_ =	shalt  }
0x63: {  	_ =	shalt  }
0x64: {  	_ =	shalt  }
0x65: {  	_ =	shalt  }
0x66: {  	_ =	shalt  }
0x67: {  	_ =	shalt  }
0x68: {  	_ =	shalt  }
0x69: {  	_ =	shalt  }
0x6a: {  	_ =	shalt  }
0x6b: {  	_ =	shalt  }
0x6c: {  	_ =	shalt  }
0x6d: {  	_ =	shalt  }
0x6e: {  	_ =	shalt  }
0x6f: {  	_ =	shalt  }
0x70: {  	_ =	shalt  }
0x71: {  	_ =	shalt  }
0x72: {  	_ =	shalt  }
0x73: {  	_ =	shalt  }
0x74: {  	_ =	shalt  }
0x75: {  	_ =	shalt  }
0x76: {  	_ =	shalt  }
0x77: {  	_ =	shalt  }
0x78: {  	_ =	shalt  }
0x79: {  	_ =	shalt  }
0x7a: {  	_ =	shalt  }
0x7b: {  	_ =	shalt  }
0x7c: {  	_ =	shalt  }
0x7d: {  	_ =	shalt  }
0x7e: {  	_ =	shalt  }
0x7f: {  	_ =	shalt  }
0x80: {  	_ =	shalt  }
0x81: {  	_ =	shalt  }
0x82: {  	_ =	shalt  }
0x83: {  	_ =	shalt  }
0x84: {  	_ =	shalt  }
0x85: {  	_ =	shalt  }
0x86: {  	_ =	shalt  }
0x87: {  	_ =	shalt  }
.Lfunc_end0:
.L_simem_size_0:
called_computation_lowered:
.L_overlay_start_0:
0x88: {  	s2 =	sld [smem:$0x3FD9]  }
0x89: {  	s3 =	sld [smem:$0x3FFE];
	_ =	sdelay $0x1  }
0x8a: {  	s1 =	srdreg.scid  }
0x8b: {  	s0 =	sand.u32 $0x1, s1  }
0x8c: {  	s15 =	sshll.u32 s0, $0xA;
	s2 =	sadd.s32 s3, s2  }
0x8d: {  	s2 =	sadd.s32 s2, s15  }
0x8e: {  	[smem:$0x3FC4] =	sst s2  }
0x8f: {  	_ = 	snop  }
0x90: {  	s2 =	sld [smem:$0x3FD0];
	_ =	sdelay $0x2  }
0x91: {  	s4 =	simm.s32 $0xA;
	s5 =	simm.s32 $0x10;
	s16 =	sld [smem:$0x3FC8]  }
0x92: {  	[smem:s5], [sflag:s4] =	dma.local [hbm:s2], $0x1  }
0x93: {  	_ =	swait.eq [sflag:s4], $0x1  }
0x94: {  	[sflag:s4] =	ssyncset.done $0x0  }
0x95: {  	[sflag:s4] =	ssyncadd.s32 $0xFFFFFFFF  }
0x96: {  	s17 =	sld [smem:$0x10];
	(tm) =	ssettm $0x1  }
0x97: {  	s18 =	sld [smem:$0x3FFB];
	_ =	sdelay $0x3  }
0x98: {  	_ =	strace s18  }
0x99: {  	s4 =	sld [smem:$0x3FFC];
	_ =	sdelay $0x3  }
0x9a: {  	_ =	strace s4  }
0x9b: {  	s4 =	sld [smem:$0x3FFD];
	_ =	sdelay $0x3  }
0x9c: {  	_ =	strace s4  }
0x9d: {  	_ =	strace $0x8FFFFFFF  }
0x9e: {  	s19 =	sld [smem:$0x3FDB];
	_ =	sdelay $0x1  }
0x9f: {  	s20 =	simm.s32 $_scs_section_size  }
0xa0: {  	s6 =	simm.s32 $_size__tile_overlayer_lowered;
	s7 =	simm.s32 $_tile_overlayer_lowered  }
0xa1: {  	s23 =	simm.s32 $0x1BFF;
	s22 =	sshll.u32 s7, $0x1;
	s4 =	sadd.s32 s20, s19  }
0xa2: {  	s8 =	simm.s32 $0x0;
	s21 =	sshll.u32 s6, $0x1;
	s6 =	sadd.s32 s22, s4  }
0xa3: {  	[timem:s8], [sflag:s23] =	dma.local [hbm:s6], s21  }
0xa4: {  	_ =	swait.ge [sflag:s23], s21  }
0xa5: {  	s5 =	ssub.s32 $0x0, s21;
	[sflag:s23] =	ssyncset.done $0x0  }
0xa6: {  	[sflag:s23] =	ssyncadd.s32 s5;
	_ =	sdelay $0x1  }
0xa7: {  	s24 =	simm.s32 $0x1B8B  }
0xa8: {  	_ =	swait.ge [sflag:s24], $0x1  }
0xa9: {  	[sflag:s24] =	ssyncset.done $0x0  }
0xaa: {  	s25 =	simm.s32 $0x1B8E;
	[sflag:s24] =	ssyncadd.s32 $0xFFFFFFFF  }
0xab: {  	s26 =	simm.s32 $execute0_lowered;
	[smem:$0x3FD2] =	sst s25  }
0xac: {  	s5 =	sshll.u32 s26, $0x1;
	_ =	strace $0x80000046;
	[dreg:$0x1] =	wrdreg $0xFFFFFFFF  }
0xad: {  	s28 =	simm.s32 $_size_execute0_lowered;
	s4 =	sadd.s32 s4, s5;
	[dreg:$0x0] =	wrdreg $0x0  }
0xae: {  	s5 =	sshll.u32 s28, $0x1;
	[dreg:$0x2] =	wrdreg s4  }
0xaf: {  	[dreg:$0x3] =	wrdreg s5  }
0xb0: {  	[dreg:$0x4] =	wrdreg $0xC0  }
0xb1: {  	_ =	task [dreg:s8], $0x5FFFF  }
0xb2: {  	[dreg:$0x1] =	wrdreg $0xFFFFFFFF  }
0xb3: {  	[dreg:$0x0] =	wrdreg $0x60  }
0xb4: {  	[dreg:$0x2] =	wrdreg s16  }
0xb5: {  	[dreg:$0x3] =	wrdreg s17  }
0xb6: {  	[dreg:$0x4] =	wrdreg $0x67000  }
0xb7: {  	[dreg:$0x5] =	wrdreg $0x9  }
0xb8: {  	_ =	task.clear_ibuf [dreg:s8], $0x6FFFF;
	_ =	strace $0x90000046  }
0xb9: {  	s29 =	simm.s32 $0x9;
	_ =	strace $0x80000048  }
0xba: {  	_ =	swait.ge [sflag:s29], $0x1  }
0xbb: {  	[sflag:s29] =	ssyncadd.s32 $0xFFFFFFFF  }
0xbc: {  	_ =	strace $0x90000048  }
0xbd: {  	_ =	sfence  }
0xbe: {  	s30 =	sld [smem:$0x0];
	_ =	sdelay $0x2  }
0xbf: {  	s31 =	sshll.u32 s1, $0xD;
	s1 =	sshrl.u32 s1, $0x2  }
0xc0: {  	s3 =	sand.u32 $0x4000, s31;
	s1 =	sadd.s32 s1, s30  }
0xc1: {  	s0 =	sor.u32 s3, s0;
	s1 =	sshll.u32 s1, $0x11  }
0xc2: {  	s0 =	sor.u32 s1, s0  }
0xc3: {  	s0 =	sadd.s32 $0x8F2B, s0  }
0xc4: {  	[sflag:s0] =	ssyncadd.remote.s32 $0x1  }
0xc5: {  	_ =	sfence.sel $0xFFFF  }
0xc6: {  	[dreg:$0x0] =	wrdreg $0xFFFFFFFF;
	(pc) =	sbr.abs _section_cstart, $3  }
0xc7: {  	[dreg:$0x1] =	wrdreg $0xFFFFFFFF  }
0xc8: {  	_ =	task.clear_ibuf [dreg:s8], $0x2FFFF;
	_ =	strace $0x9FFFFFFF  }
0xc9: {  	(tm) =	ssettm $0x7FFFFFFF  }
tec
execute0_lowered:
.L_overlay_start_1:
0x0: {  	(tag) =	ssettag $0x1  }
0x1: {  	s3 =	rddreg [dreg:$0x0]  }
0x2: {  	s6 =	rddreg [dreg:$0x1]  }
0x3: {  	s1 =	rddreg [dreg:$0x2]  }
0x4: {  	s0 =	rddreg [dreg:$0x3];
	s2 =	simm.s32 $0x0  }
0x5: {  	s4 =	srdreg.scid;
	s18 =	stileid.u32;
	s11 =	simm.s32 $0x180  }
0x6: {  	s12 =	simm.s32 $0x280;
	s13 =	simm.s32 $0x380;
	s14 =	simm.s32 $0x480  }
0x7: {  	s15 =	simm.s32 $0x580;
	s16 =	simm.s32 $0x680;
	s17 =	simm.s32 $0x780  }
0x8: {  	s19 =	simm.s32 $0x980;
	[smem:$0x7FF] =	sst s2;
	s4 =	sand.u32 $0x1, s4  }
0x9: {  	s5 =	sshll.u32 s18, $0x1;
	s30 =	smul.u32 $0xA00, s18;
	p1 =	seq.s32 s18, $0xF  }
0xa: {  	p2 =	sne.s32 s18, $0x0;
	s18 =	simm.s32 $0x880;
	s7 =	ssub.s32 $0x2, s4  }
0xb: {  	s8 =	sor.u32 s4, s5;
	_ =	strace $0x80000047;
	s31 =	smul.u32 $0x4F0, s4  }
.Ltmp0:
0xc: {  	s20 =	sshrl.u32 @!p2 s1, $0x3;
	s9 =	sshrl.u32 s7, $0x1;
	(pc) =	sbr.rel .LBB2_1-.Ltmp0, $4  }
0xd: {  	s10 =	smul.u32 $0xC80, s8;
	s5 =	sshrl.u32 s30, $0x2;
	p0 =	sgt.u32 s8, $0x18  }
0xe: {  	s8 =	simm.s32 $0x1;
	s7 =	ssub.s32 s7, s9;
	s4 =	sadd.s32 s5, s1  }
0xf: {  	s5 =	sadd.s32 $0x2580, s1;
	s6 =	sadd.s32 s6, s31;
	s9 =	simm.s32 $0x80  }
0x10: {  	v0 =	vimm.s32 $0x0;
	v1 =	vimm.s32 $0x1;
	s3 =	sadd.s32 s3, s10;
	s7 =	smax.u32 s7, $0x1;
	s10 =	simm.s32 $0x6400  }
.LBB2_5:
0x11: {  	[bflag:$0x0] =	sbarrier.arrive $0xFFFF  }
.LBB2_6:
0x12: {  	[bflag:$0x0] =	sbarrier.arrive $0xFFFF;
	s21 =	simm.s32 @!p2 $0x1C02;
	s2 =	sadd.s32 $0x1, s2  }
0x13: {  	[hbm:s6], [sflag:s21] =	dma.local @!p2 [spmem:s20], $0x4F0  }
0x14: {  	p3 =	sne.s32 s2, s7  }
.Ltmp1:
0x15: {  	_ = 	snop;
	(pc) =	sbr.rel @!p3 .LBB2_7-.Ltmp1, $4  }
0x16: {  	s21 =	simm.s32 @!p2 $0x2  }
0x17: {  	_ =	swait.ge @!p2 [sflag:s21], $0x4F0  }
0x18: {  	[sflag:s21] =	ssyncset.done @!p2 $0x0  }
0x19: {  	[sflag:s21] =	ssyncadd.s32 @!p2 $0xFFFFFB10  }
.LBB2_1:
0x1a: {  	s21 =	simm.s32 @!p0 $0x0  }
0x1b: {  	[tilespmem:s21], [sflag:$0x1] =	stream.linear.gather @!p0 [hbm4b:s3+s21], $0x6400, $0x38;
	[tilespmem:$0x6978] =	vst v63  }
0x1c: {  	[tilespmem:$0x6480] =	vst v0  }
0x1d: {  	[tilespmem:$0x6490] =	vst v0  }
0x1e: {  	[tilespmem:$0x64A0] =	vst v0  }
0x1f: {  	[tilespmem:$0x64B0] =	vst v0  }
0x20: {  	[tilespmem:$0x64C0] =	vst v0  }
0x21: {  	[tilespmem:$0x64D0] =	vst v0  }
0x22: {  	[tilespmem:$0x64E0] =	vst v0  }
0x23: {  	[tilespmem:$0x64F0] =	vst v0  }
0x24: {  	[tilespmem:$0x6500] =	vst v0  }
0x25: {  	[tilespmem:$0x6510] =	vst v0  }
0x26: {  	[tilespmem:$0x6520] =	vst v0  }
0x27: {  	[tilespmem:$0x6530] =	vst v0  }
0x28: {  	[tilespmem:$0x6540] =	vst v0  }
0x29: {  	[tilespmem:$0x6550] =	vst v0  }
0x2a: {  	[tilespmem:$0x6560] =	vst v0  }
0x2b: {  	[tilespmem:$0x6570] =	vst v0  }
0x2c: {  	[tilespmem:$0x6580] =	vst v0  }
0x2d: {  	[tilespmem:$0x6590] =	vst v0  }
0x2e: {  	[tilespmem:$0x65A0] =	vst v0  }
0x2f: {  	[tilespmem:$0x65B0] =	vst v0  }
0x30: {  	[tilespmem:$0x65C0] =	vst v0  }
0x31: {  	[tilespmem:$0x65D0] =	vst v0  }
0x32: {  	[tilespmem:$0x65E0] =	vst v0  }
0x33: {  	[tilespmem:$0x65F0] =	vst v0  }
0x34: {  	[tilespmem:$0x6600] =	vst v0  }
0x35: {  	[tilespmem:$0x6610] =	vst v0  }
0x36: {  	[tilespmem:$0x6620] =	vst v0  }
0x37: {  	[tilespmem:$0x6630] =	vst v0  }
0x38: {  	[tilespmem:$0x6640] =	vst v0  }
0x39: {  	[tilespmem:$0x6650] =	vst v0  }
0x3a: {  	[tilespmem:$0x6660] =	vst v0  }
0x3b: {  	[tilespmem:$0x6670] =	vst v0  }
0x3c: {  	[tilespmem:$0x6680] =	vst v0  }
0x3d: {  	[tilespmem:$0x6690] =	vst v0  }
0x3e: {  	[tilespmem:$0x66A0] =	vst v0  }
0x3f: {  	[tilespmem:$0x66B0] =	vst v0  }
0x40: {  	[tilespmem:$0x66C0] =	vst v0  }
0x41: {  	[tilespmem:$0x66D0] =	vst v0  }
0x42: {  	[tilespmem:$0x66E0] =	vst v0  }
0x43: {  	[tilespmem:$0x66F0] =	vst v0  }
0x44: {  	[tilespmem:$0x6400] =	vst v1  }
0x45: {  	[tilespmem:$0x6410] =	vst v1  }
0x46: {  	[tilespmem:$0x6420] =	vst v1  }
0x47: {  	[tilespmem:$0x6430] =	vst v1  }
0x48: {  	[tilespmem:$0x6440] =	vst v1  }
0x49: {  	[tilespmem:$0x6450] =	vst v1  }
0x4a: {  	[tilespmem:$0x6460] =	vst v1  }
0x4b: {  	s21 =	simm.s32 @p1 $0x6480;
	[tilespmem:$0x6470] =	vst v1  }
0x4c: {  	[spmem:s5] =	stream.linear.scatter @p1 [tilespmem:s21], [sflag:$0x2], $0x190, $0x38;
	[tilespmem:$0x6978] =	vst v63  }
0x4d: {  	s21 =	simm.s32 @p1 $0x2  }
0x4e: {  	_ =	swait.ge @p1 [sflag:s21], $0x190  }
0x4f: {  	[sflag:s21] =	ssyncset.done @p1 $0x0  }
0x50: {  	[sflag:s21] =	ssyncadd.s32 @p1 $0xFFFFFE70;
	s21 =	simm.s32 @!p1 $0x6480  }
0x51: {  	[spmem:s4] =	stream.linear.scatter @!p1 [tilespmem:s21], [sflag:$0x2], $0x280, $0x38;
	[tilespmem:$0x6978] =	vst v63  }
.Ltmp2:
0x52: {  	_ = 	snop;
	(pc) =	sbr.rel @p0 .LBB2_5-.Ltmp2, $4  }
0x53: {  	s21 =	simm.s32 @!p1 $0x2  }
0x54: {  	_ =	swait.ge @!p1 [sflag:s21], $0x280  }
0x55: {  	[sflag:s21] =	ssyncset.done @!p1 $0x0  }
0x56: {  	[sflag:s21] =	ssyncadd.s32 @!p1 $0xFFFFFD80  }
0x57: {  	_ =	swait.ge [sflag:s8], $0x6400  }
0x58: {  	[sflag:s8] =	ssyncset.done $0x0  }
0x59: {  	[sflag:s8] =	ssyncadd.s32 $0xFFFF9C00  }
0x5a: {  	[bflag:$0x0] =	sbarrier.arrive $0xFFFF  }
0x5b: {  	[spmem:s1] =	stream.indirect.scatter.add.s32 [tilespmem:s10], [sflag:$0x1], $0x1, s9, s9, $0xb8;
	[tilespmem:$0x6978] =	vst v63  }
0x5c: {  	_ = 	snop  }
0x5d: {  	[spmem:s1] =	stream.indirect.scatter.add.s32 [tilespmem:s10], [sflag:$0x1], $0x1, s11, s9, $0xb8;
	[tilespmem:$0x6978] =	vst v63  }
0x5e: {  	_ = 	snop  }
0x5f: {  	[spmem:s1] =	stream.indirect.scatter.add.s32 [tilespmem:s10], [sflag:$0x1], $0x1, s12, s9, $0xb8;
	[tilespmem:$0x6978] =	vst v63  }
0x60: {  	_ = 	snop  }
0x61: {  	[spmem:s1] =	stream.indirect.scatter.add.s32 [tilespmem:s10], [sflag:$0x1], $0x1, s13, s9, $0xb8;
	[tilespmem:$0x6978] =	vst v63  }
0x62: {  	_ = 	snop  }
0x63: {  	[spmem:s1] =	stream.indirect.scatter.add.s32 [tilespmem:s10], [sflag:$0x1], $0x1, s14, s9, $0xb8;
	[tilespmem:$0x6978] =	vst v63  }
0x64: {  	_ = 	snop  }
0x65: {  	[spmem:s1] =	stream.indirect.scatter.add.s32 [tilespmem:s10], [sflag:$0x1], $0x1, s15, s9, $0xb8;
	[tilespmem:$0x6978] =	vst v63  }
0x66: {  	_ = 	snop  }
0x67: {  	[spmem:s1] =	stream.indirect.scatter.add.s32 [tilespmem:s10], [sflag:$0x1], $0x1, s16, s9, $0xb8;
	[tilespmem:$0x6978] =	vst v63  }
0x68: {  	_ = 	snop  }
0x69: {  	[spmem:s1] =	stream.indirect.scatter.add.s32 [tilespmem:s10], [sflag:$0x1], $0x1, s17, s9, $0xb8;
	[tilespmem:$0x6978] =	vst v63  }
0x6a: {  	_ = 	snop  }
0x6b: {  	[spmem:s1] =	stream.indirect.scatter.add.s32 [tilespmem:s10], [sflag:$0x1], $0x1, s18, s9, $0xb8;
	[tilespmem:$0x6978] =	vst v63  }
0x6c: {  	_ = 	snop  }
0x6d: {  	[spmem:s1] =	stream.indirect.scatter.add.s32 [tilespmem:s10], [sflag:$0x1], $0x1, s19, s9, $0xb8;
	[tilespmem:$0x6978] =	vst v63  }
0x6e: {  	s21 =	simm.s32 $0xA80  }
0x6f: {  	[spmem:s1] =	stream.indirect.scatter.add.s32 [tilespmem:s10], [sflag:$0x1], $0x1, s21, s9, $0xb8;
	[tilespmem:$0x6978] =	vst v63  }
0x70: {  	s28 =	simm.s32 $0xB80  }
0x71: {  	[spmem:s1] =	stream.indirect.scatter.add.s32 [tilespmem:s10], [sflag:$0x1], $0x1, s28, s9, $0xb8;
	[tilespmem:$0x6978] =	vst v63  }
0x72: {  	s29 =	simm.s32 $0xC80  }
0x73: {  	[spmem:s1] =	stream.indirect.scatter.add.s32 [tilespmem:s10], [sflag:$0x1], $0x1, s29, s9, $0xb8;
	[tilespmem:$0x6978] =	vst v63  }
0x74: {  	s30 =	simm.s32 $0xD80  }
0x75: {  	[spmem:s1] =	stream.indirect.scatter.add.s32 [tilespmem:s10], [sflag:$0x1], $0x1, s30, s9, $0xb8;
	[tilespmem:$0x6978] =	vst v63  }
0x76: {  	s31 =	simm.s32 $0xE80  }
0x77: {  	[spmem:s1] =	stream.indirect.scatter.add.s32 [tilespmem:s10], [sflag:$0x1], $0x1, s31, s9, $0xb8;
	[tilespmem:$0x6978] =	vst v63  }
0x78: {  	_ =	swait.ge [sflag:s8], $0x80  }
0x79: {  	[sflag:s8] =	ssyncset.done $0x0  }
0x7a: {  	[sflag:s8] =	ssyncadd.s32 $0xFFFFFF80  }
0x7b: {  	_ =	swait.ge [sflag:s8], $0x80  }
0x7c: {  	[sflag:s8] =	ssyncset.done $0x0  }
0x7d: {  	[sflag:s8] =	ssyncadd.s32 $0xFFFFFF80  }
0x7e: {  	_ =	swait.ge [sflag:s8], $0x80  }
0x7f: {  	[sflag:s8] =	ssyncset.done $0x0  }
0x80: {  	[sflag:s8] =	ssyncadd.s32 $0xFFFFFF80  }
0x81: {  	_ =	swait.ge [sflag:s8], $0x80  }
0x82: {  	[sflag:s8] =	ssyncset.done $0x0  }
0x83: {  	[sflag:s8] =	ssyncadd.s32 $0xFFFFFF80  }
0x84: {  	_ =	swait.ge [sflag:s8], $0x80  }
0x85: {  	s22 =	simm.s32 $0xFFFEC000;
	s21 =	simm.s32 $0xFFFFAB00;
	[sflag:s8] =	ssyncset.done $0x0  }
.LBB2_3:
0x86: {  	s23 =	sadd.s32 $0x6480, s21  }
0x87: {  	[sflag:s8] =	ssyncadd.s32 $0xFFFFFF80;
	s24 =	smov.u32 s22;
	s25 =	sadd.s32 $0x1400, s22  }
0x88: {  	[spmem:s1] =	stream.indirect.scatter.add.s32 [tilespmem:s10], [sflag:$0x1], $0x1, s23, s9, $0xb8;
	[tilespmem:$0x6978] =	vst v63  }
0x89: {  	p3 =	sne.s32 s22, $0xFFFFEC00;
	s22 =	sadd.s32 $0x6580, s21  }
0x8a: {  	[spmem:s1] =	stream.indirect.scatter.add.s32 [tilespmem:s10], [sflag:$0x1], $0x1, s22, s9, $0xb8;
	[tilespmem:$0x6978] =	vst v63  }
0x8b: {  	s22 =	sadd.s32 $0x6680, s21  }
0x8c: {  	[spmem:s1] =	stream.indirect.scatter.add.s32 [tilespmem:s10], [sflag:$0x1], $0x1, s22, s9, $0xb8;
	[tilespmem:$0x6978] =	vst v63  }
0x8d: {  	s22 =	sadd.s32 $0x6780, s21  }
0x8e: {  	[spmem:s1] =	stream.indirect.scatter.add.s32 [tilespmem:s10], [sflag:$0x1], $0x1, s22, s9, $0xb8;
	[tilespmem:$0x6978] =	vst v63  }
0x8f: {  	s21 =	sadd.s32 $0x6880, s21  }
0x90: {  	[spmem:s1] =	stream.indirect.scatter.add.s32 [tilespmem:s10], [sflag:$0x1], $0x1, s21, s9, $0xb8;
	[tilespmem:$0x6978] =	vst v63  }
0x91: {  	_ =	swait.ge [sflag:s8], $0x80  }
0x92: {  	[sflag:s8] =	ssyncset.done $0x0  }
0x93: {  	[sflag:s8] =	ssyncadd.s32 $0xFFFFFF80  }
0x94: {  	_ =	swait.ge [sflag:s8], $0x80  }
0x95: {  	[sflag:s8] =	ssyncset.done $0x0  }
0x96: {  	[sflag:s8] =	ssyncadd.s32 $0xFFFFFF80  }
0x97: {  	_ =	swait.ge [sflag:s8], $0x80  }
0x98: {  	[sflag:s8] =	ssyncset.done $0x0  }
0x99: {  	[sflag:s8] =	ssyncadd.s32 $0xFFFFFF80  }
.Ltmp3:
0x9a: {  	_ =	swait.ge [sflag:s8], $0x80;
	(pc) =	sbr.rel @p3 .LBB2_3-.Ltmp3, $4  }
0x9b: {  	[sflag:s8] =	ssyncset.done $0x0  }
0x9c: {  	[sflag:s8] =	ssyncadd.s32 $0xFFFFFF80  }
0x9d: {  	_ =	swait.ge [sflag:s8], $0x80  }
0x9e: {  	s22 =	smov.u32 s25;
	s21 =	sshra.s32 s24, $0x2;
	[sflag:s8] =	ssyncset.done $0x0  }
0x9f: {  	s22 =	sadd.s32 $0x6480, s21;
	[sflag:s8] =	ssyncadd.s32 $0xFFFFFF80  }
0xa0: {  	[spmem:s1] =	stream.indirect.scatter.add.s32 [tilespmem:s10], [sflag:$0x1], $0x1, s22, s9, $0xb8;
	[tilespmem:$0x6978] =	vst v63  }
0xa1: {  	s28 =	sadd.s32 $0x6580, s21  }
0xa2: {  	[spmem:s1] =	stream.indirect.scatter.add.s32 [tilespmem:s10], [sflag:$0x1], $0x1, s28, s9, $0xb8;
	[tilespmem:$0x6978] =	vst v63  }
0xa3: {  	s29 =	sadd.s32 $0x6680, s21  }
0xa4: {  	[spmem:s1] =	stream.indirect.scatter.add.s32 [tilespmem:s10], [sflag:$0x1], $0x1, s29, s9, $0xb8;
	[tilespmem:$0x6978] =	vst v63  }
0xa5: {  	s30 =	sadd.s32 $0x6780, s21  }
0xa6: {  	[spmem:s1] =	stream.indirect.scatter.add.s32 [tilespmem:s10], [sflag:$0x1], $0x1, s30, s9, $0xb8;
	[tilespmem:$0x6978] =	vst v63  }
0xa7: {  	s31 =	sadd.s32 $0x6880, s21  }
0xa8: {  	[spmem:s1] =	stream.indirect.scatter.add.s32 [tilespmem:s10], [sflag:$0x1], $0x1, s31, s9, $0xb8;
	[tilespmem:$0x6978] =	vst v63  }
0xa9: {  	_ =	swait.ge [sflag:s8], $0x80  }
0xaa: {  	[sflag:s8] =	ssyncset.done $0x0  }
0xab: {  	[sflag:s8] =	ssyncadd.s32 $0xFFFFFF80  }
0xac: {  	_ =	swait.ge [sflag:s8], $0x80  }
0xad: {  	[sflag:s8] =	ssyncset.done $0x0  }
0xae: {  	[sflag:s8] =	ssyncadd.s32 $0xFFFFFF80  }
0xaf: {  	_ =	swait.ge [sflag:s8], $0x80  }
0xb0: {  	[sflag:s8] =	ssyncset.done $0x0  }
0xb1: {  	[sflag:s8] =	ssyncadd.s32 $0xFFFFFF80  }
0xb2: {  	_ =	swait.ge [sflag:s8], $0x80  }
0xb3: {  	[sflag:s8] =	ssyncset.done $0x0  }
0xb4: {  	[sflag:s8] =	ssyncadd.s32 $0xFFFFFF80  }
0xb5: {  	_ =	swait.ge [sflag:s8], $0x80  }
0xb6: {  	[sflag:s8] =	ssyncset.done $0x0  }
0xb7: {  	[sflag:s8] =	ssyncadd.s32 $0xFFFFFF80  }
0xb8: {  	_ =	swait.ge [sflag:s8], $0x80  }
0xb9: {  	[sflag:s8] =	ssyncset.done $0x0  }
0xba: {  	[sflag:s8] =	ssyncadd.s32 $0xFFFFFF80  }
0xbb: {  	_ =	swait.ge [sflag:s8], $0x80  }
0xbc: {  	[sflag:s8] =	ssyncset.done $0x0  }
0xbd: {  	[sflag:s8] =	ssyncadd.s32 $0xFFFFFF80  }
0xbe: {  	_ =	swait.ge [sflag:s8], $0x80  }
0xbf: {  	[sflag:s8] =	ssyncset.done $0x0  }
0xc0: {  	[sflag:s8] =	ssyncadd.s32 $0xFFFFFF80  }
0xc1: {  	_ =	swait.ge [sflag:s8], $0x80  }
0xc2: {  	[sflag:s8] =	ssyncset.done $0x0  }
0xc3: {  	[sflag:s8] =	ssyncadd.s32 $0xFFFFFF80  }
0xc4: {  	_ =	swait.ge [sflag:s8], $0x80  }
0xc5: {  	[sflag:s8] =	ssyncset.done $0x0  }
0xc6: {  	[sflag:s8] =	ssyncadd.s32 $0xFFFFFF80  }
0xc7: {  	_ =	swait.ge [sflag:s8], $0x80  }
0xc8: {  	[sflag:s8] =	ssyncset.done $0x0  }
0xc9: {  	[sflag:s8] =	ssyncadd.s32 $0xFFFFFF80  }
0xca: {  	_ =	swait.ge [sflag:s8], $0x80  }
0xcb: {  	[sflag:s8] =	ssyncset.done $0x0  }
0xcc: {  	[sflag:s8] =	ssyncadd.s32 $0xFFFFFF80  }
0xcd: {  	_ =	swait.ge [sflag:s8], $0x80  }
0xce: {  	[sflag:s8] =	ssyncset.done $0x0  }
0xcf: {  	[sflag:s8] =	ssyncadd.s32 $0xFFFFFF80  }
0xd0: {  	_ =	swait.ge [sflag:s8], $0x80  }
.Ltmp4:
0xd1: {  	[sflag:s8] =	ssyncset.done $0x0;
	(pc) =	sbr.rel .LBB2_6-.Ltmp4, $4  }
0xd2: {  	[sflag:s8] =	ssyncadd.s32 $0xFFFFFF80  }
0xd3: {  	_ =	swait.ge [sflag:s8], $0x80  }
0xd4: {  	[sflag:s8] =	ssyncset.done $0x0  }
0xd5: {  	[sflag:s8] =	ssyncadd.s32 $0xFFFFFF80  }
.LBB2_7:
0xd6: {  	_ =	sfence.sel $0x180000  }
0xd7: {  	[bflag:$0x0] =	sbarrier.arrive $0xFFFF  }
0xd8: {  	_ =	strace $0x90000047  }
0xd9: {  	s0 =	sadd.s32 @!p2 $0x100000, s0;
	[bflag:$0x2] =	sbarrier.arrive $0xFFFF  }
0xda: {  	[sflag:s0] =	ssyncadd.tile.s32 @!p2 $0x1;
	_ =	shalt  }
.Lfunc_end2:
_tile_overlayer_lowered:
.L_overlay_start_2:
0xdb: {  	(tag) =	ssettag $0x2  }
0xdc: {  	s0 =	rddreg [dreg:$0x0];
	s2 =	stileid.u32  }
0xdd: {  	s1 =	rddreg [dreg:$0x1];
	p0 =	sne.s32 s2, $0x0  }
0xde: {  	s3 =	rddreg [dreg:$0x2];
	[bflag:$0x3] =	sbarrier.arrive $0xFFFF;
	s2 =	simm.s32 @!p0 $0x1C02  }
0xdf: {  	[timem:s3], [sflag:s2] =	dma.local @!p0 [hbm:s0], s1  }
0xe0: {  	s0 =	simm.s32 @!p0 $0x2  }
0xe1: {  	_ =	swait.ge @!p0 [sflag:s0], s1  }
0xe2: {  	s1 =	ssub.s32 @!p0 $0x0, s1;
	[sflag:s0] =	ssyncset.done @!p0 $0x0  }
0xe3: {  	[sflag:s0] =	ssyncadd.s32 @!p0 s1  }
0xe4: {  	[bflag:$0x3] =	sbarrier.arrive $0xFFFF  }
0xe5: {  	_ =	shalt  }

</sc_bundles>
